<compile_context>
chip_gen: v7x
topology: tpu7x:2x2x1
jax: 0.10.2.dev20260603
libtpu: 0.0.44.dev20260713+nightly
codegen_flags: <defaults>
</compile_context>

<pallas_src>
import functools

import jax
import jax.numpy as jnp
from jax import lax
from jax.experimental import pallas as pl
from jax.experimental.pallas import tpu as pltpu
from jax.experimental.pallas import tpu_sc as plsc

_MEM_SIZE = 100000
_DIM = 16
_NQ = 1024
_THRESHOLD = 0.8

_BLK = 2048
_NSTEPS = -(-_MEM_SIZE // _BLK)

_NC = 2
_NS = 16
_NW = _NC * _NS
_B_PER_W = _NQ // _NW


def _store_xnorm(x_ref, xnb_ref):
    xv = x_ref[...]
    n = jnp.sqrt(jnp.sum(xv * xv, axis=1, keepdims=True))
    xn = xv / jnp.maximum(n, 1e-12)
    xnb_ref[...] = xn.astype(jnp.bfloat16)


def _norm_block(memt_ref, i):
    memr = memt_ref[...]
    colid = lax.broadcasted_iota(jnp.int32, (1, _BLK), 1)
    valid = (colid + i * _BLK) < _MEM_SIZE
    memz = jnp.where(valid, memr, 0.0)
    sumd = jnp.sum(memz * memz, axis=0, keepdims=True)
    normf = jnp.sqrt(sumd)
    mn = memz / jnp.maximum(normf, 1e-12)
    return mn.astype(jnp.bfloat16)


def _sim_block(xnb_ref, mnb):
    return lax.dot_general(
        xnb_ref[...],
        mnb,
        (((1,), (0,)), ((), ())),
        preferred_element_type=jnp.float32,
    )


def _scan_body(x_ref, memt_ref, idx_ref, mval_ref,
               xnb_ref, cols_ref, rmax_ref, ridx_ref, lidx_ref):
    i = pl.program_id(0)

    @pl.when(i == 0)
    def _init():
        _store_xnorm(x_ref, xnb_ref)
        iota = lax.broadcasted_iota(jnp.int32, (_BLK, 3), 0)
        csel = lax.broadcasted_iota(jnp.int32, (_BLK, 3), 1)
        colv = jnp.where(
            csel == 0,
            jnp.right_shift(iota, 4),
            jnp.where(csel == 1, jnp.bitwise_and(iota, 15), 1),
        )
        cols_ref[...] = colv.astype(jnp.bfloat16)
        rmax_ref[...] = jnp.full((_NQ, 1), -jnp.inf, jnp.float32)
        ridx_ref[...] = jnp.zeros((_NQ, 1), jnp.float32)

    sim = _sim_block(xnb_ref, _norm_block(memt_ref, i))
    lmax = jnp.max(sim, axis=1, keepdims=True)
    eqf = (sim == lmax).astype(jnp.bfloat16)
    aux = lax.dot_general(
        eqf,
        cols_ref[...],
        (((1,), (0,)), ((), ())),
        preferred_element_type=jnp.float32,
    )
    idxf = aux[:, 0:1] * 16.0 + aux[:, 1:2]
    stepcnt = aux[:, 2:3]
    lidx_ref[...] = idxf

    @pl.when(jnp.any(stepcnt > 1.0))
    def _tie_fallback():
        iota2 = lax.broadcasted_iota(jnp.int32, (_NQ, _BLK), 1).astype(jnp.float32)
        cand = jnp.where(sim == lmax, iota2, jnp.float32(2 ** 24))
        first = jnp.min(cand, axis=1, keepdims=True)
        lidx_ref[...] = jnp.where(stepcnt > 1.0, first, lidx_ref[...])

    glob = lidx_ref[...] + jnp.float32(i * _BLK)
    better = lmax > rmax_ref[...]
    rmax_ref[...] = jnp.where(better, lmax, rmax_ref[...])
    ridx_ref[...] = jnp.where(better, glob, ridx_ref[...])

    @pl.when(i == _NSTEPS - 1)
    def _fin():
        ri = jnp.minimum(ridx_ref[...], jnp.float32(_MEM_SIZE - 1))
        idx_ref[...] = jnp.reshape(ri.astype(jnp.int32), (_NQ,))
        mv = (rmax_ref[...] > _THRESHOLD).astype(jnp.float32)
        mval_ref[...] = jnp.reshape(mv, (_NQ,))


_scan = pl.pallas_call(
    _scan_body,
    grid=(_NSTEPS,),
    in_specs=[
        pl.BlockSpec((_NQ, _DIM), lambda i: (0, 0)),
        pl.BlockSpec((_DIM, _BLK), lambda i: (0, i)),
    ],
    out_specs=[
        pl.BlockSpec((_NQ,), lambda i: (0,)),
        pl.BlockSpec((_NQ,), lambda i: (0,)),
    ],
    out_shape=[
        jax.ShapeDtypeStruct((_NQ,), jnp.int32),
        jax.ShapeDtypeStruct((_NQ,), jnp.float32),
    ],
    scratch_shapes=[
        pltpu.VMEM((_NQ, _DIM), jnp.bfloat16),
        pltpu.VMEM((_BLK, 3), jnp.bfloat16),
        pltpu.VMEM((_NQ, 1), jnp.float32),
        pltpu.VMEM((_NQ, 1), jnp.float32),
        pltpu.VMEM((_NQ, 1), jnp.float32),
    ],
)


@functools.partial(
    pl.kernel,
    out_type=jax.ShapeDtypeStruct((_DIM, _NQ), jnp.float32),
    mesh=plsc.VectorSubcoreMesh(
        core_axis_name="c", subcore_axis_name="s", num_cores=_NC, num_subcores=_NS
    ),
    scratch_types=[
        pltpu.VMEM((_B_PER_W,), jnp.int32),
        pltpu.VMEM((_B_PER_W,), jnp.float32),
        pltpu.VMEM((_DIM, _B_PER_W), jnp.float32),
        pltpu.SemaphoreType.DMA,
    ],
    compiler_params=pltpu.CompilerParams(use_tc_tiling_on_sc=False),
)
def _gather(memt_hbm, idx_hbm, mval_hbm, out_hbm, idx_v, mask_v, cols_v, sem):
    wid = lax.axis_index("s") * _NC + lax.axis_index("c")
    base = wid * _B_PER_W
    pltpu.sync_copy(idx_hbm.at[pl.ds(base, _B_PER_W)], idx_v)
    pltpu.sync_copy(mval_hbm.at[pl.ds(base, _B_PER_W)], mask_v)
    descs = [
        pltpu.async_copy(memt_hbm.at[d].at[idx_v], cols_v.at[d], sem)
        for d in range(_DIM)
    ]
    for desc in descs:
        desc.wait()
    for d in range(_DIM):
        for c in range(_B_PER_W // 16):
            s = pl.ds(16 * c, 16)
            cols_v[d, s] = cols_v[d, s] * mask_v[s]
    pltpu.sync_copy(cols_v, out_hbm.at[:, pl.ds(base, _B_PER_W)])


def kernel(x, memory):
    memt = memory.T
    idx, mval = _scan(x, memt)
    out_t = _gather(memt, idx, mval)
    return out_t.T

# --- scband reference (transcript-rebuilt; emitter-appended) ---
"""Pipeline reference for scband-hard-memory-39204461478031 (READ-ONLY COPY).

The authoritative reference and input builder live on the scoring server;
editing this copy changes nothing except your own understanding.
"""

import jax, jax.numpy as jnp
import numpy as np

MEM_SIZE = 100000
MEM_DIM = 16
THRESHOLD = 0.8


def _normalize(v, axis):
    n = jnp.linalg.norm(v, axis=axis, keepdims=True)
    return v / jnp.maximum(n, 1e-12)


def setup_inputs(seed: int = 0) -> dict:
    key = jax.random.key(seed)
    k1, k2 = jax.random.split(key)
    x = jax.random.normal(k1, (1024, MEM_DIM), dtype=jnp.float32)
    memory = jax.random.normal(k2, (MEM_SIZE, MEM_DIM), dtype=jnp.float32)
    return {"x": x, "memory": memory}


def reference(x, memory):
    # _match_vector path (x.dim() == 2)
    x_norm = _normalize(x, axis=1)
    mem_norm = _normalize(memory, axis=1)
    sim = jnp.matmul(x_norm, mem_norm.T)
    max_val = jnp.max(sim, axis=1)
    max_idx = jnp.argmax(sim, axis=1)
    matched = jnp.take(memory, max_idx, axis=0)
    mask = (max_val > THRESHOLD).astype(jnp.float32)[:, None]
    output = matched * mask
    return output

if __name__ == "__main__":
    import jax
    _d = setup_inputs()
    print(jax.jit(kernel)(*tuple(_d.values())))

</pallas_src>

<mosaic_0001>
#map = affine_map<(d0, d1) -> (0, 0)>
#map1 = affine_map<(d0, d1) -> (0)>
module attributes {stable_mosaic.version = 14 : i64} {
  func.func @_gather(%arg0: i32, %arg1: i32, %arg2: memref<16x100000xf32, #tpu.memory_space<hbm>>, %arg3: memref<1024xi32, #tpu.memory_space<hbm>>, %arg4: memref<1024xf32, #tpu.memory_space<hbm>>, %arg5: memref<16x1024xf32, #tpu.memory_space<hbm>>, %arg6: memref<32xi32, #tpu.memory_space<vmem>>, %arg7: memref<32xf32, #tpu.memory_space<vmem>>, %arg8: memref<16x32xf32, #tpu.memory_space<vmem>>, %arg9: memref<!tpu.dma_semaphore, #tpu.memory_space<semaphore_mem>>) attributes {dimension_semantics = [#tpu.dimension_semantics<core_parallel>, #tpu.dimension_semantics<subcore_parallel>], iteration_bounds = array<i64: 2, 16>, scalar_prefetch = 0 : i64, scratch_operands = 4 : i64, tpu.core_type = #tpu.core_type<sc_vector_subcore>, window_params = [{transform_indices = #map}, {transform_indices = #map1}, {transform_indices = #map1}, {transform_indices = #map}]} {
    %mul3A = arith.constant 2 : i32
    %mul3A_0 = arith.muli %arg1, %mul3A : i32
    %add3A = arith.addi %mul3A_0, %arg0 : i32
    %mul3A_1 = arith.constant 32 : i32
    %mul3A_2 = arith.muli %add3A, %mul3A_1 : i32
    "tpu.region"() ({
      %run_scoped3A = tpu.sem_alloc : memref<!tpu.dma_semaphore, #tpu.memory_space<semaphore_mem>>
      %dma_start3A_799 = tpu.memref_slice %arg3[%mul3A_2] : memref<1024xi32, #tpu.memory_space<hbm>> -> memref<32xi32, #tpu.memory_space<hbm>>
      %dma_start3A_800 = tpu.memref_slice %arg3[%mul3A_2] : memref<1024xi32, #tpu.memory_space<hbm>> -> memref<32xi32, #tpu.memory_space<hbm>>
      tpu.enqueue_dma source(%dma_start3A_800 : memref<32xi32, #tpu.memory_space<hbm>>) target(%arg6 : memref<32xi32, #tpu.memory_space<vmem>>) target_semaphore(%run_scoped3A : memref<!tpu.dma_semaphore, #tpu.memory_space<semaphore_mem>>)
      %dma_wait3A_801 = tpu.memref_slice %arg3[%mul3A_2] : memref<1024xi32, #tpu.memory_space<hbm>> -> memref<32xi32, #tpu.memory_space<hbm>>
      %dma_wait3A_802 = tpu.memref_slice %arg3[%mul3A_2] : memref<1024xi32, #tpu.memory_space<hbm>> -> memref<32xi32, #tpu.memory_space<hbm>>
      tpu.wait_dma2 semaphore(%run_scoped3A : memref<!tpu.dma_semaphore, #tpu.memory_space<semaphore_mem>>) src(%dma_wait3A_802 : memref<32xi32, #tpu.memory_space<hbm>>) dst(%arg6 : memref<32xi32, #tpu.memory_space<vmem>>)
      tpu.yield
    }) : () -> ()
    "tpu.region"() ({
      %run_scoped3A = tpu.sem_alloc : memref<!tpu.dma_semaphore, #tpu.memory_space<semaphore_mem>>
      %dma_start3A_799 = tpu.memref_slice %arg4[%mul3A_2] : memref<1024xf32, #tpu.memory_space<hbm>> -> memref<32xf32, #tpu.memory_space<hbm>>
      %dma_start3A_800 = tpu.memref_slice %arg4[%mul3A_2] : memref<1024xf32, #tpu.memory_space<hbm>> -> memref<32xf32, #tpu.memory_space<hbm>>
      tpu.enqueue_dma source(%dma_start3A_800 : memref<32xf32, #tpu.memory_space<hbm>>) target(%arg7 : memref<32xf32, #tpu.memory_space<vmem>>) target_semaphore(%run_scoped3A : memref<!tpu.dma_semaphore, #tpu.memory_space<semaphore_mem>>)
      %dma_wait3A_801 = tpu.memref_slice %arg4[%mul3A_2] : memref<1024xf32, #tpu.memory_space<hbm>> -> memref<32xf32, #tpu.memory_space<hbm>>
      %dma_wait3A_802 = tpu.memref_slice %arg4[%mul3A_2] : memref<1024xf32, #tpu.memory_space<hbm>> -> memref<32xf32, #tpu.memory_space<hbm>>
      tpu.wait_dma2 semaphore(%run_scoped3A : memref<!tpu.dma_semaphore, #tpu.memory_space<semaphore_mem>>) src(%dma_wait3A_802 : memref<32xf32, #tpu.memory_space<hbm>>) dst(%arg7 : memref<32xf32, #tpu.memory_space<vmem>>)
      tpu.yield
    }) : () -> ()
    %dma_start3A = arith.constant 0 : i32
    %dma_start3A_3 = arith.constant 0 : i32
    %dma_start3A_4 = arith.constant 0 : i32
    %dma_start3A_5 = tpu.memref_slice %arg8[%dma_start3A_3, %dma_start3A_4] : memref<16x32xf32, #tpu.memory_space<vmem>> -> memref<1x32xf32, #tpu.memory_space<vmem>>
    %dma_start3A_6 = tpu.memref_squeeze %dma_start3A_5 : memref<1x32xf32, #tpu.memory_space<vmem>> -> memref<32xf32, #tpu.memory_space<vmem>>
    %dma_start3A_7 = arith.constant 0 : i32
    %dma_start3A_8 = tpu.memref_slice %arg2[%dma_start3A, %dma_start3A_7] : memref<16x100000xf32, #tpu.memory_space<hbm>> -> memref<1x100000xf32, #tpu.memory_space<hbm>>
    %dma_start3A_9 = tpu.memref_squeeze %dma_start3A_8 : memref<1x100000xf32, #tpu.memory_space<hbm>> -> memref<100000xf32, #tpu.memory_space<hbm>>
    %dma_start3A_10 = arith.constant 0 : i32
    %dma_start3A_11 = tpu.memref_slice %dma_start3A_9[%dma_start3A_10] : memref<100000xf32, #tpu.memory_space<hbm>> -> memref<100000xf32, #tpu.memory_space<hbm>>
    tpu.enqueue_indirect_dma source(%dma_start3A_11 : memref<100000xf32, #tpu.memory_space<hbm>>) target(%dma_start3A_6 : memref<32xf32, #tpu.memory_space<vmem>>) offsets(%arg6 : memref<32xi32, #tpu.memory_space<vmem>>) semaphore(%arg9 : memref<!tpu.dma_semaphore, #tpu.memory_space<semaphore_mem>>)
    %dma_start3A_12 = arith.constant 1 : i32
    %dma_start3A_13 = arith.constant 1 : i32
    %dma_start3A_14 = arith.constant 0 : i32
    %dma_start3A_15 = tpu.memref_slice %arg8[%dma_start3A_13, %dma_start3A_14] : memref<16x32xf32, #tpu.memory_space<vmem>> -> memref<1x32xf32, #tpu.memory_space<vmem>>
    %dma_start3A_16 = tpu.memref_squeeze %dma_start3A_15 : memref<1x32xf32, #tpu.memory_space<vmem>> -> memref<32xf32, #tpu.memory_space<vmem>>
    %dma_start3A_17 = arith.constant 0 : i32
    %dma_start3A_18 = tpu.memref_slice %arg2[%dma_start3A_12, %dma_start3A_17] : memref<16x100000xf32, #tpu.memory_space<hbm>> -> memref<1x100000xf32, #tpu.memory_space<hbm>>
    %dma_start3A_19 = tpu.memref_squeeze %dma_start3A_18 : memref<1x100000xf32, #tpu.memory_space<hbm>> -> memref<100000xf32, #tpu.memory_space<hbm>>
    %dma_start3A_20 = arith.constant 0 : i32
    %dma_start3A_21 = tpu.memref_slice %dma_start3A_19[%dma_start3A_20] : memref<100000xf32, #tpu.memory_space<hbm>> -> memref<100000xf32, #tpu.memory_space<hbm>>
    tpu.enqueue_indirect_dma source(%dma_start3A_21 : memref<100000xf32, #tpu.memory_space<hbm>>) target(%dma_start3A_16 : memref<32xf32, #tpu.memory_space<vmem>>) offsets(%arg6 : memref<32xi32, #tpu.memory_space<vmem>>) semaphore(%arg9 : memref<!tpu.dma_semaphore, #tpu.memory_space<semaphore_mem>>)
    %dma_start3A_22 = arith.constant 2 : i32
    %dma_start3A_23 = arith.constant 2 : i32
    %dma_start3A_24 = arith.constant 0 : i32
    %dma_start3A_25 = tpu.memref_slice %arg8[%dma_start3A_23, %dma_start3A_24] : memref<16x32xf32, #tpu.memory_space<vmem>> -> memref<1x32xf32, #tpu.memory_space<vmem>>
    %dma_start3A_26 = tpu.memref_squeeze %dma_start3A_25 : memref<1x32xf32, #tpu.memory_space<vmem>> -> memref<32xf32, #tpu.memory_space<vmem>>
    %dma_start3A_27 = arith.constant 0 : i32
    %dma_start3A_28 = tpu.memref_slice %arg2[%dma_start3A_22, %dma_start3A_27] : memref<16x100000xf32, #tpu.memory_space<hbm>> -> memref<1x100000xf32, #tpu.memory_space<hbm>>
    %dma_start3A_29 = tpu.memref_squeeze %dma_start3A_28 : memref<1x100000xf32, #tpu.memory_space<hbm>> -> memref<100000xf32, #tpu.memory_space<hbm>>
    %dma_start3A_30 = arith.constant 0 : i32
    %dma_start3A_31 = tpu.memref_slice %dma_start3A_29[%dma_start3A_30] : memref<100000xf32, #tpu.memory_space<hbm>> -> memref<100000xf32, #tpu.memory_space<hbm>>
    tpu.enqueue_indirect_dma source(%dma_start3A_31 : memref<100000xf32, #tpu.memory_space<hbm>>) target(%dma_start3A_26 : memref<32xf32, #tpu.memory_space<vmem>>) offsets(%arg6 : memref<32xi32, #tpu.memory_space<vmem>>) semaphore(%arg9 : memref<!tpu.dma_semaphore, #tpu.memory_space<semaphore_mem>>)
    %dma_start3A_32 = arith.constant 3 : i32
    %dma_start3A_33 = arith.constant 3 : i32
    %dma_start3A_34 = arith.constant 0 : i32
    %dma_start3A_35 = tpu.memref_slice %arg8[%dma_start3A_33, %dma_start3A_34] : memref<16x32xf32, #tpu.memory_space<vmem>> -> memref<1x32xf32, #tpu.memory_space<vmem>>
    %dma_start3A_36 = tpu.memref_squeeze %dma_start3A_35 : memref<1x32xf32, #tpu.memory_space<vmem>> -> memref<32xf32, #tpu.memory_space<vmem>>
    %dma_start3A_37 = arith.constant 0 : i32
    %dma_start3A_38 = tpu.memref_slice %arg2[%dma_start3A_32, %dma_start3A_37] : memref<16x100000xf32, #tpu.memory_space<hbm>> -> memref<1x100000xf32, #tpu.memory_space<hbm>>
    %dma_start3A_39 = tpu.memref_squeeze %dma_start3A_38 : memref<1x100000xf32, #tpu.memory_space<hbm>> -> memref<100000xf32, #tpu.memory_space<hbm>>
    %dma_start3A_40 = arith.constant 0 : i32
    %dma_start3A_41 = tpu.memref_slice %dma_start3A_39[%dma_start3A_40] : memref<100000xf32, #tpu.memory_space<hbm>> -> memref<100000xf32, #tpu.memory_space<hbm>>
    tpu.enqueue_indirect_dma source(%dma_start3A_41 : memref<100000xf32, #tpu.memory_space<hbm>>) target(%dma_start3A_36 : memref<32xf32, #tpu.memory_space<vmem>>) offsets(%arg6 : memref<32xi32, #tpu.memory_space<vmem>>) semaphore(%arg9 : memref<!tpu.dma_semaphore, #tpu.memory_space<semaphore_mem>>)
    %dma_start3A_42 = arith.constant 4 : i32
    %dma_start3A_43 = arith.constant 4 : i32
    %dma_start3A_44 = arith.constant 0 : i32
    %dma_start3A_45 = tpu.memref_slice %arg8[%dma_start3A_43, %dma_start3A_44] : memref<16x32xf32, #tpu.memory_space<vmem>> -> memref<1x32xf32, #tpu.memory_space<vmem>>
    %dma_start3A_46 = tpu.memref_squeeze %dma_start3A_45 : memref<1x32xf32, #tpu.memory_space<vmem>> -> memref<32xf32, #tpu.memory_space<vmem>>
    %dma_start3A_47 = arith.constant 0 : i32
    %dma_start3A_48 = tpu.memref_slice %arg2[%dma_start3A_42, %dma_start3A_47] : memref<16x100000xf32, #tpu.memory_space<hbm>> -> memref<1x100000xf32, #tpu.memory_space<hbm>>
    %dma_start3A_49 = tpu.memref_squeeze %dma_start3A_48 : memref<1x100000xf32, #tpu.memory_space<hbm>> -> memref<100000xf32, #tpu.memory_space<hbm>>
    %dma_start3A_50 = arith.constant 0 : i32
    %dma_start3A_51 = tpu.memref_slice %dma_start3A_49[%dma_start3A_50] : memref<100000xf32, #tpu.memory_space<hbm>> -> memref<100000xf32, #tpu.memory_space<hbm>>
    tpu.enqueue_indirect_dma source(%dma_start3A_51 : memref<100000xf32, #tpu.memory_space<hbm>>) target(%dma_start3A_46 : memref<32xf32, #tpu.memory_space<vmem>>) offsets(%arg6 : memref<32xi32, #tpu.memory_space<vmem>>) semaphore(%arg9 : memref<!tpu.dma_semaphore, #tpu.memory_space<semaphore_mem>>)
    %dma_start3A_52 = arith.constant 5 : i32
    %dma_start3A_53 = arith.constant 5 : i32
    %dma_start3A_54 = arith.constant 0 : i32
    %dma_start3A_55 = tpu.memref_slice %arg8[%dma_start3A_53, %dma_start3A_54] : memref<16x32xf32, #tpu.memory_space<vmem>> -> memref<1x32xf32, #tpu.memory_space<vmem>>
    %dma_start3A_56 = tpu.memref_squeeze %dma_start3A_55 : memref<1x32xf32, #tpu.memory_space<vmem>> -> memref<32xf32, #tpu.memory_space<vmem>>
    %dma_start3A_57 = arith.constant 0 : i32
    %dma_start3A_58 = tpu.memref_slice %arg2[%dma_start3A_52, %dma_start3A_57] : memref<16x100000xf32, #tpu.memory_space<hbm>> -> memref<1x100000xf32, #tpu.memory_space<hbm>>
    %dma_start3A_59 = tpu.memref_squeeze %dma_start3A_58 : memref<1x100000xf32, #tpu.memory_space<hbm>> -> memref<100000xf32, #tpu.memory_space<hbm>>
    %dma_start3A_60 = arith.constant 0 : i32
    %dma_start3A_61 = tpu.memref_slice %dma_start3A_59[%dma_start3A_60] : memref<100000xf32, #tpu.memory_space<hbm>> -> memref<100000xf32, #tpu.memory_space<hbm>>
    tpu.enqueue_indirect_dma source(%dma_start3A_61 : memref<100000xf32, #tpu.memory_space<hbm>>) target(%dma_start3A_56 : memref<32xf32, #tpu.memory_space<vmem>>) offsets(%arg6 : memref<32xi32, #tpu.memory_space<vmem>>) semaphore(%arg9 : memref<!tpu.dma_semaphore, #tpu.memory_space<semaphore_mem>>)
    %dma_start3A_62 = arith.constant 6 : i32
    %dma_start3A_63 = arith.constant 6 : i32
    %dma_start3A_64 = arith.constant 0 : i32
    %dma_start3A_65 = tpu.memref_slice %arg8[%dma_start3A_63, %dma_start3A_64] : memref<16x32xf32, #tpu.memory_space<vmem>> -> memref<1x32xf32, #tpu.memory_space<vmem>>
    %dma_start3A_66 = tpu.memref_squeeze %dma_start3A_65 : memref<1x32xf32, #tpu.memory_space<vmem>> -> memref<32xf32, #tpu.memory_space<vmem>>
    %dma_start3A_67 = arith.constant 0 : i32
    %dma_start3A_68 = tpu.memref_slice %arg2[%dma_start3A_62, %dma_start3A_67] : memref<16x100000xf32, #tpu.memory_space<hbm>> -> memref<1x100000xf32, #tpu.memory_space<hbm>>
    %dma_start3A_69 = tpu.memref_squeeze %dma_start3A_68 : memref<1x100000xf32, #tpu.memory_space<hbm>> -> memref<100000xf32, #tpu.memory_space<hbm>>
    %dma_start3A_70 = arith.constant 0 : i32
    %dma_start3A_71 = tpu.memref_slice %dma_start3A_69[%dma_start3A_70] : memref<100000xf32, #tpu.memory_space<hbm>> -> memref<100000xf32, #tpu.memory_space<hbm>>
    tpu.enqueue_indirect_dma source(%dma_start3A_71 : memref<100000xf32, #tpu.memory_space<hbm>>) target(%dma_start3A_66 : memref<32xf32, #tpu.memory_space<vmem>>) offsets(%arg6 : memref<32xi32, #tpu.memory_space<vmem>>) semaphore(%arg9 : memref<!tpu.dma_semaphore, #tpu.memory_space<semaphore_mem>>)
    %dma_start3A_72 = arith.constant 7 : i32
    %dma_start3A_73 = arith.constant 7 : i32
    %dma_start3A_74 = arith.constant 0 : i32
    %dma_start3A_75 = tpu.memref_slice %arg8[%dma_start3A_73, %dma_start3A_74] : memref<16x32xf32, #tpu.memory_space<vmem>> -> memref<1x32xf32, #tpu.memory_space<vmem>>
    %dma_start3A_76 = tpu.memref_squeeze %dma_start3A_75 : memref<1x32xf32, #tpu.memory_space<vmem>> -> memref<32xf32, #tpu.memory_space<vmem>>
    %dma_start3A_77 = arith.constant 0 : i32
    %dma_start3A_78 = tpu.memref_slice %arg2[%dma_start3A_72, %dma_start3A_77] : memref<16x100000xf32, #tpu.memory_space<hbm>> -> memref<1x100000xf32, #tpu.memory_space<hbm>>
    %dma_start3A_79 = tpu.memref_squeeze %dma_start3A_78 : memref<1x100000xf32, #tpu.memory_space<hbm>> -> memref<100000xf32, #tpu.memory_space<hbm>>
    %dma_start3A_80 = arith.constant 0 : i32
    %dma_start3A_81 = tpu.memref_slice %dma_start3A_79[%dma_start3A_80] : memref<100000xf32, #tpu.memory_space<hbm>> -> memref<100000xf32, #tpu.memory_space<hbm>>
    tpu.enqueue_indirect_dma source(%dma_start3A_81 : memref<100000xf32, #tpu.memory_space<hbm>>) target(%dma_start3A_76 : memref<32xf32, #tpu.memory_space<vmem>>) offsets(%arg6 : memref<32xi32, #tpu.memory_space<vmem>>) semaphore(%arg9 : memref<!tpu.dma_semaphore, #tpu.memory_space<semaphore_mem>>)
    %dma_start3A_82 = arith.constant 8 : i32
    %dma_start3A_83 = arith.constant 8 : i32
    %dma_start3A_84 = arith.constant 0 : i32
    %dma_start3A_85 = tpu.memref_slice %arg8[%dma_start3A_83, %dma_start3A_84] : memref<16x32xf32, #tpu.memory_space<vmem>> -> memref<1x32xf32, #tpu.memory_space<vmem>>
    %dma_start3A_86 = tpu.memref_squeeze %dma_start3A_85 : memref<1x32xf32, #tpu.memory_space<vmem>> -> memref<32xf32, #tpu.memory_space<vmem>>
    %dma_start3A_87 = arith.constant 0 : i32
    %dma_start3A_88 = tpu.memref_slice %arg2[%dma_start3A_82, %dma_start3A_87] : memref<16x100000xf32, #tpu.memory_space<hbm>> -> memref<1x100000xf32, #tpu.memory_space<hbm>>
    %dma_start3A_89 = tpu.memref_squeeze %dma_start3A_88 : memref<1x100000xf32, #tpu.memory_space<hbm>> -> memref<100000xf32, #tpu.memory_space<hbm>>
    %dma_start3A_90 = arith.constant 0 : i32
    %dma_start3A_91 = tpu.memref_slice %dma_start3A_89[%dma_start3A_90] : memref<100000xf32, #tpu.memory_space<hbm>> -> memref<100000xf32, #tpu.memory_space<hbm>>
    tpu.enqueue_indirect_dma source(%dma_start3A_91 : memref<100000xf32, #tpu.memory_space<hbm>>) target(%dma_start3A_86 : memref<32xf32, #tpu.memory_space<vmem>>) offsets(%arg6 : memref<32xi32, #tpu.memory_space<vmem>>) semaphore(%arg9 : memref<!tpu.dma_semaphore, #tpu.memory_space<semaphore_mem>>)
    %dma_start3A_92 = arith.constant 9 : i32
    %dma_start3A_93 = arith.constant 9 : i32
    %dma_start3A_94 = arith.constant 0 : i32
    %dma_start3A_95 = tpu.memref_slice %arg8[%dma_start3A_93, %dma_start3A_94] : memref<16x32xf32, #tpu.memory_space<vmem>> -> memref<1x32xf32, #tpu.memory_space<vmem>>
    %dma_start3A_96 = tpu.memref_squeeze %dma_start3A_95 : memref<1x32xf32, #tpu.memory_space<vmem>> -> memref<32xf32, #tpu.memory_space<vmem>>
    %dma_start3A_97 = arith.constant 0 : i32
    %dma_start3A_98 = tpu.memref_slice %arg2[%dma_start3A_92, %dma_start3A_97] : memref<16x100000xf32, #tpu.memory_space<hbm>> -> memref<1x100000xf32, #tpu.memory_space<hbm>>
    %dma_start3A_99 = tpu.memref_squeeze %dma_start3A_98 : memref<1x100000xf32, #tpu.memory_space<hbm>> -> memref<100000xf32, #tpu.memory_space<hbm>>
    %dma_start3A_100 = arith.constant 0 : i32
    %dma_start3A_101 = tpu.memref_slice %dma_start3A_99[%dma_start3A_100] : memref<100000xf32, #tpu.memory_space<hbm>> -> memref<100000xf32, #tpu.memory_space<hbm>>
    tpu.enqueue_indirect_dma source(%dma_start3A_101 : memref<100000xf32, #tpu.memory_space<hbm>>) target(%dma_start3A_96 : memref<32xf32, #tpu.memory_space<vmem>>) offsets(%arg6 : memref<32xi32, #tpu.memory_space<vmem>>) semaphore(%arg9 : memref<!tpu.dma_semaphore, #tpu.memory_space<semaphore_mem>>)
    %dma_start3A_102 = arith.constant 10 : i32
    %dma_start3A_103 = arith.constant 10 : i32
    %dma_start3A_104 = arith.constant 0 : i32
    %dma_start3A_105 = tpu.memref_slice %arg8[%dma_start3A_103, %dma_start3A_104] : memref<16x32xf32, #tpu.memory_space<vmem>> -> memref<1x32xf32, #tpu.memory_space<vmem>>
    %dma_start3A_106 = tpu.memref_squeeze %dma_start3A_105 : memref<1x32xf32, #tpu.memory_space<vmem>> -> memref<32xf32, #tpu.memory_space<vmem>>
    %dma_start3A_107 = arith.constant 0 : i32
    %dma_start3A_108 = tpu.memref_slice %arg2[%dma_start3A_102, %dma_start3A_107] : memref<16x100000xf32, #tpu.memory_space<hbm>> -> memref<1x100000xf32, #tpu.memory_space<hbm>>
    %dma_start3A_109 = tpu.memref_squeeze %dma_start3A_108 : memref<1x100000xf32, #tpu.memory_space<hbm>> -> memref<100000xf32, #tpu.memory_space<hbm>>
    %dma_start3A_110 = arith.constant 0 : i32
    %dma_start3A_111 = tpu.memref_slice %dma_start3A_109[%dma_start3A_110] : memref<100000xf32, #tpu.memory_space<hbm>> -> memref<100000xf32, #tpu.memory_space<hbm>>
    tpu.enqueue_indirect_dma source(%dma_start3A_111 : memref<100000xf32, #tpu.memory_space<hbm>>) target(%dma_start3A_106 : memref<32xf32, #tpu.memory_space<vmem>>) offsets(%arg6 : memref<32xi32, #tpu.memory_space<vmem>>) semaphore(%arg9 : memref<!tpu.dma_semaphore, #tpu.memory_space<semaphore_mem>>)
    %dma_start3A_112 = arith.constant 11 : i32
    %dma_start3A_113 = arith.constant 11 : i32
    %dma_start3A_114 = arith.constant 0 : i32
    %dma_start3A_115 = tpu.memref_slice %arg8[%dma_start3A_113, %dma_start3A_114] : memref<16x32xf32, #tpu.memory_space<vmem>> -> memref<1x32xf32, #tpu.memory_space<vmem>>
    %dma_start3A_116 = tpu.memref_squeeze %dma_start3A_115 : memref<1x32xf32, #tpu.memory_space<vmem>> -> memref<32xf32, #tpu.memory_space<vmem>>
    %dma_start3A_117 = arith.constant 0 : i32
    %dma_start3A_118 = tpu.memref_slice %arg2[%dma_start3A_112, %dma_start3A_117] : memref<16x100000xf32, #tpu.memory_space<hbm>> -> memref<1x100000xf32, #tpu.memory_space<hbm>>
    %dma_start3A_119 = tpu.memref_squeeze %dma_start3A_118 : memref<1x100000xf32, #tpu.memory_space<hbm>> -> memref<100000xf32, #tpu.memory_space<hbm>>
    %dma_start3A_120 = arith.constant 0 : i32
    %dma_start3A_121 = tpu.memref_slice %dma_start3A_119[%dma_start3A_120] : memref<100000xf32, #tpu.memory_space<hbm>> -> memref<100000xf32, #tpu.memory_space<hbm>>
    tpu.enqueue_indirect_dma source(%dma_start3A_121 : memref<100000xf32, #tpu.memory_space<hbm>>) target(%dma_start3A_116 : memref<32xf32, #tpu.memory_space<vmem>>) offsets(%arg6 : memref<32xi32, #tpu.memory_space<vmem>>) semaphore(%arg9 : memref<!tpu.dma_semaphore, #tpu.memory_space<semaphore_mem>>)
    %dma_start3A_122 = arith.constant 12 : i32
    %dma_start3A_123 = arith.constant 12 : i32
    %dma_start3A_124 = arith.constant 0 : i32
    %dma_start3A_125 = tpu.memref_slice %arg8[%dma_start3A_123, %dma_start3A_124] : memref<16x32xf32, #tpu.memory_space<vmem>> -> memref<1x32xf32, #tpu.memory_space<vmem>>
    %dma_start3A_126 = tpu.memref_squeeze %dma_start3A_125 : memref<1x32xf32, #tpu.memory_space<vmem>> -> memref<32xf32, #tpu.memory_space<vmem>>
    %dma_start3A_127 = arith.constant 0 : i32
    %dma_start3A_128 = tpu.memref_slice %arg2[%dma_start3A_122, %dma_start3A_127] : memref<16x100000xf32, #tpu.memory_space<hbm>> -> memref<1x100000xf32, #tpu.memory_space<hbm>>
    %dma_start3A_129 = tpu.memref_squeeze %dma_start3A_128 : memref<1x100000xf32, #tpu.memory_space<hbm>> -> memref<100000xf32, #tpu.memory_space<hbm>>
    %dma_start3A_130 = arith.constant 0 : i32
    %dma_start3A_131 = tpu.memref_slice %dma_start3A_129[%dma_start3A_130] : memref<100000xf32, #tpu.memory_space<hbm>> -> memref<100000xf32, #tpu.memory_space<hbm>>
    tpu.enqueue_indirect_dma source(%dma_start3A_131 : memref<100000xf32, #tpu.memory_space<hbm>>) target(%dma_start3A_126 : memref<32xf32, #tpu.memory_space<vmem>>) offsets(%arg6 : memref<32xi32, #tpu.memory_space<vmem>>) semaphore(%arg9 : memref<!tpu.dma_semaphore, #tpu.memory_space<semaphore_mem>>)
    %dma_start3A_132 = arith.constant 13 : i32
    %dma_start3A_133 = arith.constant 13 : i32
    %dma_start3A_134 = arith.constant 0 : i32
    %dma_start3A_135 = tpu.memref_slice %arg8[%dma_start3A_133, %dma_start3A_134] : memref<16x32xf32, #tpu.memory_space<vmem>> -> memref<1x32xf32, #tpu.memory_space<vmem>>
    %dma_start3A_136 = tpu.memref_squeeze %dma_start3A_135 : memref<1x32xf32, #tpu.memory_space<vmem>> -> memref<32xf32, #tpu.memory_space<vmem>>
    %dma_start3A_137 = arith.constant 0 : i32
    %dma_start3A_138 = tpu.memref_slice %arg2[%dma_start3A_132, %dma_start3A_137] : memref<16x100000xf32, #tpu.memory_space<hbm>> -> memref<1x100000xf32, #tpu.memory_space<hbm>>
    %dma_start3A_139 = tpu.memref_squeeze %dma_start3A_138 : memref<1x100000xf32, #tpu.memory_space<hbm>> -> memref<100000xf32, #tpu.memory_space<hbm>>
    %dma_start3A_140 = arith.constant 0 : i32
    %dma_start3A_141 = tpu.memref_slice %dma_start3A_139[%dma_start3A_140] : memref<100000xf32, #tpu.memory_space<hbm>> -> memref<100000xf32, #tpu.memory_space<hbm>>
    tpu.enqueue_indirect_dma source(%dma_start3A_141 : memref<100000xf32, #tpu.memory_space<hbm>>) target(%dma_start3A_136 : memref<32xf32, #tpu.memory_space<vmem>>) offsets(%arg6 : memref<32xi32, #tpu.memory_space<vmem>>) semaphore(%arg9 : memref<!tpu.dma_semaphore, #tpu.memory_space<semaphore_mem>>)
    %dma_start3A_142 = arith.constant 14 : i32
    %dma_start3A_143 = arith.constant 14 : i32
    %dma_start3A_144 = arith.constant 0 : i32
    %dma_start3A_145 = tpu.memref_slice %arg8[%dma_start3A_143, %dma_start3A_144] : memref<16x32xf32, #tpu.memory_space<vmem>> -> memref<1x32xf32, #tpu.memory_space<vmem>>
    %dma_start3A_146 = tpu.memref_squeeze %dma_start3A_145 : memref<1x32xf32, #tpu.memory_space<vmem>> -> memref<32xf32, #tpu.memory_space<vmem>>
    %dma_start3A_147 = arith.constant 0 : i32
    %dma_start3A_148 = tpu.memref_slice %arg2[%dma_start3A_142, %dma_start3A_147] : memref<16x100000xf32, #tpu.memory_space<hbm>> -> memref<1x100000xf32, #tpu.memory_space<hbm>>
    %dma_start3A_149 = tpu.memref_squeeze %dma_start3A_148 : memref<1x100000xf32, #tpu.memory_space<hbm>> -> memref<100000xf32, #tpu.memory_space<hbm>>
    %dma_start3A_150 = arith.constant 0 : i32
    %dma_start3A_151 = tpu.memref_slice %dma_start3A_149[%dma_start3A_150] : memref<100000xf32, #tpu.memory_space<hbm>> -> memref<100000xf32, #tpu.memory_space<hbm>>
    tpu.enqueue_indirect_dma source(%dma_start3A_151 : memref<100000xf32, #tpu.memory_space<hbm>>) target(%dma_start3A_146 : memref<32xf32, #tpu.memory_space<vmem>>) offsets(%arg6 : memref<32xi32, #tpu.memory_space<vmem>>) semaphore(%arg9 : memref<!tpu.dma_semaphore, #tpu.memory_space<semaphore_mem>>)
    %dma_start3A_152 = arith.constant 15 : i32
    %dma_start3A_153 = arith.constant 15 : i32
    %dma_start3A_154 = arith.constant 0 : i32
    %dma_start3A_155 = tpu.memref_slice %arg8[%dma_start3A_153, %dma_start3A_154] : memref<16x32xf32, #tpu.memory_space<vmem>> -> memref<1x32xf32, #tpu.memory_space<vmem>>
    %dma_start3A_156 = tpu.memref_squeeze %dma_start3A_155 : memref<1x32xf32, #tpu.memory_space<vmem>> -> memref<32xf32, #tpu.memory_space<vmem>>
    %dma_start3A_157 = arith.constant 0 : i32
    %dma_start3A_158 = tpu.memref_slice %arg2[%dma_start3A_152, %dma_start3A_157] : memref<16x100000xf32, #tpu.memory_space<hbm>> -> memref<1x100000xf32, #tpu.memory_space<hbm>>
    %dma_start3A_159 = tpu.memref_squeeze %dma_start3A_158 : memref<1x100000xf32, #tpu.memory_space<hbm>> -> memref<100000xf32, #tpu.memory_space<hbm>>
    %dma_start3A_160 = arith.constant 0 : i32
    %dma_start3A_161 = tpu.memref_slice %dma_start3A_159[%dma_start3A_160] : memref<100000xf32, #tpu.memory_space<hbm>> -> memref<100000xf32, #tpu.memory_space<hbm>>
    tpu.enqueue_indirect_dma source(%dma_start3A_161 : memref<100000xf32, #tpu.memory_space<hbm>>) target(%dma_start3A_156 : memref<32xf32, #tpu.memory_space<vmem>>) offsets(%arg6 : memref<32xi32, #tpu.memory_space<vmem>>) semaphore(%arg9 : memref<!tpu.dma_semaphore, #tpu.memory_space<semaphore_mem>>)
    %dma_wait3A = arith.constant 0 : i32
    %dma_wait3A_162 = arith.constant 0 : i32
    %dma_wait3A_163 = arith.constant 0 : i32
    %dma_wait3A_164 = tpu.memref_slice %arg8[%dma_wait3A_162, %dma_wait3A_163] : memref<16x32xf32, #tpu.memory_space<vmem>> -> memref<1x32xf32, #tpu.memory_space<vmem>>
    %dma_wait3A_165 = tpu.memref_squeeze %dma_wait3A_164 : memref<1x32xf32, #tpu.memory_space<vmem>> -> memref<32xf32, #tpu.memory_space<vmem>>
    %dma_wait3A_166 = arith.constant 0 : i32
    %dma_wait3A_167 = tpu.memref_slice %arg2[%dma_wait3A, %dma_wait3A_166] : memref<16x100000xf32, #tpu.memory_space<hbm>> -> memref<1x100000xf32, #tpu.memory_space<hbm>>
    %dma_wait3A_168 = tpu.memref_squeeze %dma_wait3A_167 : memref<1x100000xf32, #tpu.memory_space<hbm>> -> memref<100000xf32, #tpu.memory_space<hbm>>
    %dma_wait3A_169 = arith.constant 0 : i32
    %dma_wait3A_170 = tpu.memref_slice %dma_wait3A_168[%dma_wait3A_169] : memref<100000xf32, #tpu.memory_space<hbm>> -> memref<100000xf32, #tpu.memory_space<hbm>>
    tpu.wait_indirect_dma semaphore(%arg9 : memref<!tpu.dma_semaphore, #tpu.memory_space<semaphore_mem>>) src(%dma_wait3A_170 : memref<100000xf32, #tpu.memory_space<hbm>>) dst(%dma_wait3A_165 : memref<32xf32, #tpu.memory_space<vmem>>)
    %dma_wait3A_171 = arith.constant 1 : i32
    %dma_wait3A_172 = arith.constant 1 : i32
    %dma_wait3A_173 = arith.constant 0 : i32
    %dma_wait3A_174 = tpu.memref_slice %arg8[%dma_wait3A_172, %dma_wait3A_173] : memref<16x32xf32, #tpu.memory_space<vmem>> -> memref<1x32xf32, #tpu.memory_space<vmem>>
    %dma_wait3A_175 = tpu.memref_squeeze %dma_wait3A_174 : memref<1x32xf32, #tpu.memory_space<vmem>> -> memref<32xf32, #tpu.memory_space<vmem>>
    %dma_wait3A_176 = arith.constant 0 : i32
    %dma_wait3A_177 = tpu.memref_slice %arg2[%dma_wait3A_171, %dma_wait3A_176] : memref<16x100000xf32, #tpu.memory_space<hbm>> -> memref<1x100000xf32, #tpu.memory_space<hbm>>
    %dma_wait3A_178 = tpu.memref_squeeze %dma_wait3A_177 : memref<1x100000xf32, #tpu.memory_space<hbm>> -> memref<100000xf32, #tpu.memory_space<hbm>>
    %dma_wait3A_179 = arith.constant 0 : i32
    %dma_wait3A_180 = tpu.memref_slice %dma_wait3A_178[%dma_wait3A_179] : memref<100000xf32, #tpu.memory_space<hbm>> -> memref<100000xf32, #tpu.memory_space<hbm>>
    tpu.wait_indirect_dma semaphore(%arg9 : memref<!tpu.dma_semaphore, #tpu.memory_space<semaphore_mem>>) src(%dma_wait3A_180 : memref<100000xf32, #tpu.memory_space<hbm>>) dst(%dma_wait3A_175 : memref<32xf32, #tpu.memory_space<vmem>>)
    %dma_wait3A_181 = arith.constant 2 : i32
    %dma_wait3A_182 = arith.constant 2 : i32
    %dma_wait3A_183 = arith.constant 0 : i32
    %dma_wait3A_184 = tpu.memref_slice %arg8[%dma_wait3A_182, %dma_wait3A_183] : memref<16x32xf32, #tpu.memory_space<vmem>> -> memref<1x32xf32, #tpu.memory_space<vmem>>
    %dma_wait3A_185 = tpu.memref_squeeze %dma_wait3A_184 : memref<1x32xf32, #tpu.memory_space<vmem>> -> memref<32xf32, #tpu.memory_space<vmem>>
    %dma_wait3A_186 = arith.constant 0 : i32
    %dma_wait3A_187 = tpu.memref_slice %arg2[%dma_wait3A_181, %dma_wait3A_186] : memref<16x100000xf32, #tpu.memory_space<hbm>> -> memref<1x100000xf32, #tpu.memory_space<hbm>>
    %dma_wait3A_188 = tpu.memref_squeeze %dma_wait3A_187 : memref<1x100000xf32, #tpu.memory_space<hbm>> -> memref<100000xf32, #tpu.memory_space<hbm>>
    %dma_wait3A_189 = arith.constant 0 : i32
    %dma_wait3A_190 = tpu.memref_slice %dma_wait3A_188[%dma_wait3A_189] : memref<100000xf32, #tpu.memory_space<hbm>> -> memref<100000xf32, #tpu.memory_space<hbm>>
    tpu.wait_indirect_dma semaphore(%arg9 : memref<!tpu.dma_semaphore, #tpu.memory_space<semaphore_mem>>) src(%dma_wait3A_190 : memref<100000xf32, #tpu.memory_space<hbm>>) dst(%dma_wait3A_185 : memref<32xf32, #tpu.memory_space<vmem>>)
    %dma_wait3A_191 = arith.constant 3 : i32
    %dma_wait3A_192 = arith.constant 3 : i32
    %dma_wait3A_193 = arith.constant 0 : i32
    %dma_wait3A_194 = tpu.memref_slice %arg8[%dma_wait3A_192, %dma_wait3A_193] : memref<16x32xf32, #tpu.memory_space<vmem>> -> memref<1x32xf32, #tpu.memory_space<vmem>>
    %dma_wait3A_195 = tpu.memref_squeeze %dma_wait3A_194 : memref<1x32xf32, #tpu.memory_space<vmem>> -> memref<32xf32, #tpu.memory_space<vmem>>
    %dma_wait3A_196 = arith.constant 0 : i32
    %dma_wait3A_197 = tpu.memref_slice %arg2[%dma_wait3A_191, %dma_wait3A_196] : memref<16x100000xf32, #tpu.memory_space<hbm>> -> memref<1x100000xf32, #tpu.memory_space<hbm>>
    %dma_wait3A_198 = tpu.memref_squeeze %dma_wait3A_197 : memref<1x100000xf32, #tpu.memory_space<hbm>> -> memref<100000xf32, #tpu.memory_space<hbm>>
    %dma_wait3A_199 = arith.constant 0 : i32
    %dma_wait3A_200 = tpu.memref_slice %dma_wait3A_198[%dma_wait3A_199] : memref<100000xf32, #tpu.memory_space<hbm>> -> memref<100000xf32, #tpu.memory_space<hbm>>
    tpu.wait_indirect_dma semaphore(%arg9 : memref<!tpu.dma_semaphore, #tpu.memory_space<semaphore_mem>>) src(%dma_wait3A_200 : memref<100000xf32, #tpu.memory_space<hbm>>) dst(%dma_wait3A_195 : memref<32xf32, #tpu.memory_space<vmem>>)
    %dma_wait3A_201 = arith.constant 4 : i32
    %dma_wait3A_202 = arith.constant 4 : i32
    %dma_wait3A_203 = arith.constant 0 : i32
    %dma_wait3A_204 = tpu.memref_slice %arg8[%dma_wait3A_202, %dma_wait3A_203] : memref<16x32xf32, #tpu.memory_space<vmem>> -> memref<1x32xf32, #tpu.memory_space<vmem>>
    %dma_wait3A_205 = tpu.memref_squeeze %dma_wait3A_204 : memref<1x32xf32, #tpu.memory_space<vmem>> -> memref<32xf32, #tpu.memory_space<vmem>>
    %dma_wait3A_206 = arith.constant 0 : i32
    %dma_wait3A_207 = tpu.memref_slice %arg2[%dma_wait3A_201, %dma_wait3A_206] : memref<16x100000xf32, #tpu.memory_space<hbm>> -> memref<1x100000xf32, #tpu.memory_space<hbm>>
    %dma_wait3A_208 = tpu.memref_squeeze %dma_wait3A_207 : memref<1x100000xf32, #tpu.memory_space<hbm>> -> memref<100000xf32, #tpu.memory_space<hbm>>
    %dma_wait3A_209 = arith.constant 0 : i32
    %dma_wait3A_210 = tpu.memref_slice %dma_wait3A_208[%dma_wait3A_209] : memref<100000xf32, #tpu.memory_space<hbm>> -> memref<100000xf32, #tpu.memory_space<hbm>>
    tpu.wait_indirect_dma semaphore(%arg9 : memref<!tpu.dma_semaphore, #tpu.memory_space<semaphore_mem>>) src(%dma_wait3A_210 : memref<100000xf32, #tpu.memory_space<hbm>>) dst(%dma_wait3A_205 : memref<32xf32, #tpu.memory_space<vmem>>)
    %dma_wait3A_211 = arith.constant 5 : i32
    %dma_wait3A_212 = arith.constant 5 : i32
    %dma_wait3A_213 = arith.constant 0 : i32
    %dma_wait3A_214 = tpu.memref_slice %arg8[%dma_wait3A_212, %dma_wait3A_213] : memref<16x32xf32, #tpu.memory_space<vmem>> -> memref<1x32xf32, #tpu.memory_space<vmem>>
    %dma_wait3A_215 = tpu.memref_squeeze %dma_wait3A_214 : memref<1x32xf32, #tpu.memory_space<vmem>> -> memref<32xf32, #tpu.memory_space<vmem>>
    %dma_wait3A_216 = arith.constant 0 : i32
    %dma_wait3A_217 = tpu.memref_slice %arg2[%dma_wait3A_211, %dma_wait3A_216] : memref<16x100000xf32, #tpu.memory_space<hbm>> -> memref<1x100000xf32, #tpu.memory_space<hbm>>
    %dma_wait3A_218 = tpu.memref_squeeze %dma_wait3A_217 : memref<1x100000xf32, #tpu.memory_space<hbm>> -> memref<100000xf32, #tpu.memory_space<hbm>>
    %dma_wait3A_219 = arith.constant 0 : i32
    %dma_wait3A_220 = tpu.memref_slice %dma_wait3A_218[%dma_wait3A_219] : memref<100000xf32, #tpu.memory_space<hbm>> -> memref<100000xf32, #tpu.memory_space<hbm>>
    tpu.wait_indirect_dma semaphore(%arg9 : memref<!tpu.dma_semaphore, #tpu.memory_space<semaphore_mem>>) src(%dma_wait3A_220 : memref<100000xf32, #tpu.memory_space<hbm>>) dst(%dma_wait3A_215 : memref<32xf32, #tpu.memory_space<vmem>>)
    %dma_wait3A_221 = arith.constant 6 : i32
    %dma_wait3A_222 = arith.constant 6 : i32
    %dma_wait3A_223 = arith.constant 0 : i32
    %dma_wait3A_224 = tpu.memref_slice %arg8[%dma_wait3A_222, %dma_wait3A_223] : memref<16x32xf32, #tpu.memory_space<vmem>> -> memref<1x32xf32, #tpu.memory_space<vmem>>
    %dma_wait3A_225 = tpu.memref_squeeze %dma_wait3A_224 : memref<1x32xf32, #tpu.memory_space<vmem>> -> memref<32xf32, #tpu.memory_space<vmem>>
    %dma_wait3A_226 = arith.constant 0 : i32
    %dma_wait3A_227 = tpu.memref_slice %arg2[%dma_wait3A_221, %dma_wait3A_226] : memref<16x100000xf32, #tpu.memory_space<hbm>> -> memref<1x100000xf32, #tpu.memory_space<hbm>>
    %dma_wait3A_228 = tpu.memref_squeeze %dma_wait3A_227 : memref<1x100000xf32, #tpu.memory_space<hbm>> -> memref<100000xf32, #tpu.memory_space<hbm>>
    %dma_wait3A_229 = arith.constant 0 : i32
    %dma_wait3A_230 = tpu.memref_slice %dma_wait3A_228[%dma_wait3A_229] : memref<100000xf32, #tpu.memory_space<hbm>> -> memref<100000xf32, #tpu.memory_space<hbm>>
    tpu.wait_indirect_dma semaphore(%arg9 : memref<!tpu.dma_semaphore, #tpu.memory_space<semaphore_mem>>) src(%dma_wait3A_230 : memref<100000xf32, #tpu.memory_space<hbm>>) dst(%dma_wait3A_225 : memref<32xf32, #tpu.memory_space<vmem>>)
    %dma_wait3A_231 = arith.constant 7 : i32
    %dma_wait3A_232 = arith.constant 7 : i32
    %dma_wait3A_233 = arith.constant 0 : i32
    %dma_wait3A_234 = tpu.memref_slice %arg8[%dma_wait3A_232, %dma_wait3A_233] : memref<16x32xf32, #tpu.memory_space<vmem>> -> memref<1x32xf32, #tpu.memory_space<vmem>>
    %dma_wait3A_235 = tpu.memref_squeeze %dma_wait3A_234 : memref<1x32xf32, #tpu.memory_space<vmem>> -> memref<32xf32, #tpu.memory_space<vmem>>
    %dma_wait3A_236 = arith.constant 0 : i32
    %dma_wait3A_237 = tpu.memref_slice %arg2[%dma_wait3A_231, %dma_wait3A_236] : memref<16x100000xf32, #tpu.memory_space<hbm>> -> memref<1x100000xf32, #tpu.memory_space<hbm>>
    %dma_wait3A_238 = tpu.memref_squeeze %dma_wait3A_237 : memref<1x100000xf32, #tpu.memory_space<hbm>> -> memref<100000xf32, #tpu.memory_space<hbm>>
    %dma_wait3A_239 = arith.constant 0 : i32
    %dma_wait3A_240 = tpu.memref_slice %dma_wait3A_238[%dma_wait3A_239] : memref<100000xf32, #tpu.memory_space<hbm>> -> memref<100000xf32, #tpu.memory_space<hbm>>
    tpu.wait_indirect_dma semaphore(%arg9 : memref<!tpu.dma_semaphore, #tpu.memory_space<semaphore_mem>>) src(%dma_wait3A_240 : memref<100000xf32, #tpu.memory_space<hbm>>) dst(%dma_wait3A_235 : memref<32xf32, #tpu.memory_space<vmem>>)
    %dma_wait3A_241 = arith.constant 8 : i32
    %dma_wait3A_242 = arith.constant 8 : i32
    %dma_wait3A_243 = arith.constant 0 : i32
    %dma_wait3A_244 = tpu.memref_slice %arg8[%dma_wait3A_242, %dma_wait3A_243] : memref<16x32xf32, #tpu.memory_space<vmem>> -> memref<1x32xf32, #tpu.memory_space<vmem>>
    %dma_wait3A_245 = tpu.memref_squeeze %dma_wait3A_244 : memref<1x32xf32, #tpu.memory_space<vmem>> -> memref<32xf32, #tpu.memory_space<vmem>>
    %dma_wait3A_246 = arith.constant 0 : i32
    %dma_wait3A_247 = tpu.memref_slice %arg2[%dma_wait3A_241, %dma_wait3A_246] : memref<16x100000xf32, #tpu.memory_space<hbm>> -> memref<1x100000xf32, #tpu.memory_space<hbm>>
    %dma_wait3A_248 = tpu.memref_squeeze %dma_wait3A_247 : memref<1x100000xf32, #tpu.memory_space<hbm>> -> memref<100000xf32, #tpu.memory_space<hbm>>
    %dma_wait3A_249 = arith.constant 0 : i32
    %dma_wait3A_250 = tpu.memref_slice %dma_wait3A_248[%dma_wait3A_249] : memref<100000xf32, #tpu.memory_space<hbm>> -> memref<100000xf32, #tpu.memory_space<hbm>>
    tpu.wait_indirect_dma semaphore(%arg9 : memref<!tpu.dma_semaphore, #tpu.memory_space<semaphore_mem>>) src(%dma_wait3A_250 : memref<100000xf32, #tpu.memory_space<hbm>>) dst(%dma_wait3A_245 : memref<32xf32, #tpu.memory_space<vmem>>)
    %dma_wait3A_251 = arith.constant 9 : i32
    %dma_wait3A_252 = arith.constant 9 : i32
    %dma_wait3A_253 = arith.constant 0 : i32
    %dma_wait3A_254 = tpu.memref_slice %arg8[%dma_wait3A_252, %dma_wait3A_253] : memref<16x32xf32, #tpu.memory_space<vmem>> -> memref<1x32xf32, #tpu.memory_space<vmem>>
    %dma_wait3A_255 = tpu.memref_squeeze %dma_wait3A_254 : memref<1x32xf32, #tpu.memory_space<vmem>> -> memref<32xf32, #tpu.memory_space<vmem>>
    %dma_wait3A_256 = arith.constant 0 : i32
    %dma_wait3A_257 = tpu.memref_slice %arg2[%dma_wait3A_251, %dma_wait3A_256] : memref<16x100000xf32, #tpu.memory_space<hbm>> -> memref<1x100000xf32, #tpu.memory_space<hbm>>
    %dma_wait3A_258 = tpu.memref_squeeze %dma_wait3A_257 : memref<1x100000xf32, #tpu.memory_space<hbm>> -> memref<100000xf32, #tpu.memory_space<hbm>>
    %dma_wait3A_259 = arith.constant 0 : i32
    %dma_wait3A_260 = tpu.memref_slice %dma_wait3A_258[%dma_wait3A_259] : memref<100000xf32, #tpu.memory_space<hbm>> -> memref<100000xf32, #tpu.memory_space<hbm>>
    tpu.wait_indirect_dma semaphore(%arg9 : memref<!tpu.dma_semaphore, #tpu.memory_space<semaphore_mem>>) src(%dma_wait3A_260 : memref<100000xf32, #tpu.memory_space<hbm>>) dst(%dma_wait3A_255 : memref<32xf32, #tpu.memory_space<vmem>>)
    %dma_wait3A_261 = arith.constant 10 : i32
    %dma_wait3A_262 = arith.constant 10 : i32
    %dma_wait3A_263 = arith.constant 0 : i32
    %dma_wait3A_264 = tpu.memref_slice %arg8[%dma_wait3A_262, %dma_wait3A_263] : memref<16x32xf32, #tpu.memory_space<vmem>> -> memref<1x32xf32, #tpu.memory_space<vmem>>
    %dma_wait3A_265 = tpu.memref_squeeze %dma_wait3A_264 : memref<1x32xf32, #tpu.memory_space<vmem>> -> memref<32xf32, #tpu.memory_space<vmem>>
    %dma_wait3A_266 = arith.constant 0 : i32
    %dma_wait3A_267 = tpu.memref_slice %arg2[%dma_wait3A_261, %dma_wait3A_266] : memref<16x100000xf32, #tpu.memory_space<hbm>> -> memref<1x100000xf32, #tpu.memory_space<hbm>>
    %dma_wait3A_268 = tpu.memref_squeeze %dma_wait3A_267 : memref<1x100000xf32, #tpu.memory_space<hbm>> -> memref<100000xf32, #tpu.memory_space<hbm>>
    %dma_wait3A_269 = arith.constant 0 : i32
    %dma_wait3A_270 = tpu.memref_slice %dma_wait3A_268[%dma_wait3A_269] : memref<100000xf32, #tpu.memory_space<hbm>> -> memref<100000xf32, #tpu.memory_space<hbm>>
    tpu.wait_indirect_dma semaphore(%arg9 : memref<!tpu.dma_semaphore, #tpu.memory_space<semaphore_mem>>) src(%dma_wait3A_270 : memref<100000xf32, #tpu.memory_space<hbm>>) dst(%dma_wait3A_265 : memref<32xf32, #tpu.memory_space<vmem>>)
    %dma_wait3A_271 = arith.constant 11 : i32
    %dma_wait3A_272 = arith.constant 11 : i32
    %dma_wait3A_273 = arith.constant 0 : i32
    %dma_wait3A_274 = tpu.memref_slice %arg8[%dma_wait3A_272, %dma_wait3A_273] : memref<16x32xf32, #tpu.memory_space<vmem>> -> memref<1x32xf32, #tpu.memory_space<vmem>>
    %dma_wait3A_275 = tpu.memref_squeeze %dma_wait3A_274 : memref<1x32xf32, #tpu.memory_space<vmem>> -> memref<32xf32, #tpu.memory_space<vmem>>
    %dma_wait3A_276 = arith.constant 0 : i32
    %dma_wait3A_277 = tpu.memref_slice %arg2[%dma_wait3A_271, %dma_wait3A_276] : memref<16x100000xf32, #tpu.memory_space<hbm>> -> memref<1x100000xf32, #tpu.memory_space<hbm>>
    %dma_wait3A_278 = tpu.memref_squeeze %dma_wait3A_277 : memref<1x100000xf32, #tpu.memory_space<hbm>> -> memref<100000xf32, #tpu.memory_space<hbm>>
    %dma_wait3A_279 = arith.constant 0 : i32
    %dma_wait3A_280 = tpu.memref_slice %dma_wait3A_278[%dma_wait3A_279] : memref<100000xf32, #tpu.memory_space<hbm>> -> memref<100000xf32, #tpu.memory_space<hbm>>
    tpu.wait_indirect_dma semaphore(%arg9 : memref<!tpu.dma_semaphore, #tpu.memory_space<semaphore_mem>>) src(%dma_wait3A_280 : memref<100000xf32, #tpu.memory_space<hbm>>) dst(%dma_wait3A_275 : memref<32xf32, #tpu.memory_space<vmem>>)
    %dma_wait3A_281 = arith.constant 12 : i32
    %dma_wait3A_282 = arith.constant 12 : i32
    %dma_wait3A_283 = arith.constant 0 : i32
    %dma_wait3A_284 = tpu.memref_slice %arg8[%dma_wait3A_282, %dma_wait3A_283] : memref<16x32xf32, #tpu.memory_space<vmem>> -> memref<1x32xf32, #tpu.memory_space<vmem>>
    %dma_wait3A_285 = tpu.memref_squeeze %dma_wait3A_284 : memref<1x32xf32, #tpu.memory_space<vmem>> -> memref<32xf32, #tpu.memory_space<vmem>>
    %dma_wait3A_286 = arith.constant 0 : i32
    %dma_wait3A_287 = tpu.memref_slice %arg2[%dma_wait3A_281, %dma_wait3A_286] : memref<16x100000xf32, #tpu.memory_space<hbm>> -> memref<1x100000xf32, #tpu.memory_space<hbm>>
    %dma_wait3A_288 = tpu.memref_squeeze %dma_wait3A_287 : memref<1x100000xf32, #tpu.memory_space<hbm>> -> memref<100000xf32, #tpu.memory_space<hbm>>
    %dma_wait3A_289 = arith.constant 0 : i32
    %dma_wait3A_290 = tpu.memref_slice %dma_wait3A_288[%dma_wait3A_289] : memref<100000xf32, #tpu.memory_space<hbm>> -> memref<100000xf32, #tpu.memory_space<hbm>>
    tpu.wait_indirect_dma semaphore(%arg9 : memref<!tpu.dma_semaphore, #tpu.memory_space<semaphore_mem>>) src(%dma_wait3A_290 : memref<100000xf32, #tpu.memory_space<hbm>>) dst(%dma_wait3A_285 : memref<32xf32, #tpu.memory_space<vmem>>)
    %dma_wait3A_291 = arith.constant 13 : i32
    %dma_wait3A_292 = arith.constant 13 : i32
    %dma_wait3A_293 = arith.constant 0 : i32
    %dma_wait3A_294 = tpu.memref_slice %arg8[%dma_wait3A_292, %dma_wait3A_293] : memref<16x32xf32, #tpu.memory_space<vmem>> -> memref<1x32xf32, #tpu.memory_space<vmem>>
    %dma_wait3A_295 = tpu.memref_squeeze %dma_wait3A_294 : memref<1x32xf32, #tpu.memory_space<vmem>> -> memref<32xf32, #tpu.memory_space<vmem>>
    %dma_wait3A_296 = arith.constant 0 : i32
    %dma_wait3A_297 = tpu.memref_slice %arg2[%dma_wait3A_291, %dma_wait3A_296] : memref<16x100000xf32, #tpu.memory_space<hbm>> -> memref<1x100000xf32, #tpu.memory_space<hbm>>
    %dma_wait3A_298 = tpu.memref_squeeze %dma_wait3A_297 : memref<1x100000xf32, #tpu.memory_space<hbm>> -> memref<100000xf32, #tpu.memory_space<hbm>>
    %dma_wait3A_299 = arith.constant 0 : i32
    %dma_wait3A_300 = tpu.memref_slice %dma_wait3A_298[%dma_wait3A_299] : memref<100000xf32, #tpu.memory_space<hbm>> -> memref<100000xf32, #tpu.memory_space<hbm>>
    tpu.wait_indirect_dma semaphore(%arg9 : memref<!tpu.dma_semaphore, #tpu.memory_space<semaphore_mem>>) src(%dma_wait3A_300 : memref<100000xf32, #tpu.memory_space<hbm>>) dst(%dma_wait3A_295 : memref<32xf32, #tpu.memory_space<vmem>>)
    %dma_wait3A_301 = arith.constant 14 : i32
    %dma_wait3A_302 = arith.constant 14 : i32
    %dma_wait3A_303 = arith.constant 0 : i32
    %dma_wait3A_304 = tpu.memref_slice %arg8[%dma_wait3A_302, %dma_wait3A_303] : memref<16x32xf32, #tpu.memory_space<vmem>> -> memref<1x32xf32, #tpu.memory_space<vmem>>
    %dma_wait3A_305 = tpu.memref_squeeze %dma_wait3A_304 : memref<1x32xf32, #tpu.memory_space<vmem>> -> memref<32xf32, #tpu.memory_space<vmem>>
    %dma_wait3A_306 = arith.constant 0 : i32
    %dma_wait3A_307 = tpu.memref_slice %arg2[%dma_wait3A_301, %dma_wait3A_306] : memref<16x100000xf32, #tpu.memory_space<hbm>> -> memref<1x100000xf32, #tpu.memory_space<hbm>>
    %dma_wait3A_308 = tpu.memref_squeeze %dma_wait3A_307 : memref<1x100000xf32, #tpu.memory_space<hbm>> -> memref<100000xf32, #tpu.memory_space<hbm>>
    %dma_wait3A_309 = arith.constant 0 : i32
    %dma_wait3A_310 = tpu.memref_slice %dma_wait3A_308[%dma_wait3A_309] : memref<100000xf32, #tpu.memory_space<hbm>> -> memref<100000xf32, #tpu.memory_space<hbm>>
    tpu.wait_indirect_dma semaphore(%arg9 : memref<!tpu.dma_semaphore, #tpu.memory_space<semaphore_mem>>) src(%dma_wait3A_310 : memref<100000xf32, #tpu.memory_space<hbm>>) dst(%dma_wait3A_305 : memref<32xf32, #tpu.memory_space<vmem>>)
    %dma_wait3A_311 = arith.constant 15 : i32
    %dma_wait3A_312 = arith.constant 15 : i32
    %dma_wait3A_313 = arith.constant 0 : i32
    %dma_wait3A_314 = tpu.memref_slice %arg8[%dma_wait3A_312, %dma_wait3A_313] : memref<16x32xf32, #tpu.memory_space<vmem>> -> memref<1x32xf32, #tpu.memory_space<vmem>>
    %dma_wait3A_315 = tpu.memref_squeeze %dma_wait3A_314 : memref<1x32xf32, #tpu.memory_space<vmem>> -> memref<32xf32, #tpu.memory_space<vmem>>
    %dma_wait3A_316 = arith.constant 0 : i32
    %dma_wait3A_317 = tpu.memref_slice %arg2[%dma_wait3A_311, %dma_wait3A_316] : memref<16x100000xf32, #tpu.memory_space<hbm>> -> memref<1x100000xf32, #tpu.memory_space<hbm>>
    %dma_wait3A_318 = tpu.memref_squeeze %dma_wait3A_317 : memref<1x100000xf32, #tpu.memory_space<hbm>> -> memref<100000xf32, #tpu.memory_space<hbm>>
    %dma_wait3A_319 = arith.constant 0 : i32
    %dma_wait3A_320 = tpu.memref_slice %dma_wait3A_318[%dma_wait3A_319] : memref<100000xf32, #tpu.memory_space<hbm>> -> memref<100000xf32, #tpu.memory_space<hbm>>
    tpu.wait_indirect_dma semaphore(%arg9 : memref<!tpu.dma_semaphore, #tpu.memory_space<semaphore_mem>>) src(%dma_wait3A_320 : memref<100000xf32, #tpu.memory_space<hbm>>) dst(%dma_wait3A_315 : memref<32xf32, #tpu.memory_space<vmem>>)
    %get3A = arith.constant 0 : i32
    %get3A_321 = arith.index_cast %get3A : i32 to index
    %get3A_322 = arith.constant 0 : index
    %get3A_323 = tpu.vector_load %arg8[%get3A_321, %get3A_322] {strides = array<i32>} : memref<16x32xf32, #tpu.memory_space<vmem>>, vector<1x16xf32>,
    %get3A_324 = vector.shape_cast %get3A_323 : vector<1x16xf32> to vector<16xf32>
    %get3A_325 = arith.constant 0 : index
    %get3A_326 = tpu.vector_load %arg7[%get3A_325] {strides = array<i32>} : memref<32xf32, #tpu.memory_space<vmem>>, vector<16xf32>,
    %get3A_327 = vector.shape_cast %get3A_326 : vector<16xf32> to vector<16xf32>
    %mul3A_328 = arith.mulf %get3A_324, %get3A_327 : vector<16xf32>
    %swap3A = arith.constant 0 : i32
    %swap3A_329 = arith.index_cast %swap3A : i32 to index
    %swap3A_330 = arith.constant 0 : index
    %swap3A_331 = tpu.vector_load %arg8[%swap3A_329, %swap3A_330] {strides = array<i32>} : memref<16x32xf32, #tpu.memory_space<vmem>>, vector<1x16xf32>,
    %swap3A_332 = vector.shape_cast %swap3A_331 : vector<1x16xf32> to vector<16xf32>
    %swap3A_333 = vector.shape_cast %mul3A_328 : vector<16xf32> to vector<1x16xf32>
    tpu.vector_store %arg8[%swap3A_329, %swap3A_330], %swap3A_333 {strides = array<i32>} : memref<16x32xf32, #tpu.memory_space<vmem>>, vector<1x16xf32>,
    %get3A_334 = arith.constant 0 : i32
    %get3A_335 = arith.index_cast %get3A_334 : i32 to index
    %get3A_336 = arith.constant 16 : index
    %get3A_337 = tpu.vector_load %arg8[%get3A_335, %get3A_336] {strides = array<i32>} : memref<16x32xf32, #tpu.memory_space<vmem>>, vector<1x16xf32>,
    %get3A_338 = vector.shape_cast %get3A_337 : vector<1x16xf32> to vector<16xf32>
    %get3A_339 = arith.constant 16 : index
    %get3A_340 = tpu.vector_load %arg7[%get3A_339] {strides = array<i32>} : memref<32xf32, #tpu.memory_space<vmem>>, vector<16xf32>,
    %get3A_341 = vector.shape_cast %get3A_340 : vector<16xf32> to vector<16xf32>
    %mul3A_342 = arith.mulf %get3A_338, %get3A_341 : vector<16xf32>
    %swap3A_343 = arith.constant 0 : i32
    %swap3A_344 = arith.index_cast %swap3A_343 : i32 to index
    %swap3A_345 = arith.constant 16 : index
    %swap3A_346 = tpu.vector_load %arg8[%swap3A_344, %swap3A_345] {strides = array<i32>} : memref<16x32xf32, #tpu.memory_space<vmem>>, vector<1x16xf32>,
    %swap3A_347 = vector.shape_cast %swap3A_346 : vector<1x16xf32> to vector<16xf32>
    %swap3A_348 = vector.shape_cast %mul3A_342 : vector<16xf32> to vector<1x16xf32>
    tpu.vector_store %arg8[%swap3A_344, %swap3A_345], %swap3A_348 {strides = array<i32>} : memref<16x32xf32, #tpu.memory_space<vmem>>, vector<1x16xf32>,
    %get3A_349 = arith.constant 1 : i32
    %get3A_350 = arith.index_cast %get3A_349 : i32 to index
    %get3A_351 = arith.constant 0 : index
    %get3A_352 = tpu.vector_load %arg8[%get3A_350, %get3A_351] {strides = array<i32>} : memref<16x32xf32, #tpu.memory_space<vmem>>, vector<1x16xf32>,
    %get3A_353 = vector.shape_cast %get3A_352 : vector<1x16xf32> to vector<16xf32>
    %get3A_354 = arith.constant 0 : index
    %get3A_355 = tpu.vector_load %arg7[%get3A_354] {strides = array<i32>} : memref<32xf32, #tpu.memory_space<vmem>>, vector<16xf32>,
    %get3A_356 = vector.shape_cast %get3A_355 : vector<16xf32> to vector<16xf32>
    %mul3A_357 = arith.mulf %get3A_353, %get3A_356 : vector<16xf32>
    %swap3A_358 = arith.constant 1 : i32
    %swap3A_359 = arith.index_cast %swap3A_358 : i32 to index
    %swap3A_360 = arith.constant 0 : index
    %swap3A_361 = tpu.vector_load %arg8[%swap3A_359, %swap3A_360] {strides = array<i32>} : memref<16x32xf32, #tpu.memory_space<vmem>>, vector<1x16xf32>,
    %swap3A_362 = vector.shape_cast %swap3A_361 : vector<1x16xf32> to vector<16xf32>
    %swap3A_363 = vector.shape_cast %mul3A_357 : vector<16xf32> to vector<1x16xf32>
    tpu.vector_store %arg8[%swap3A_359, %swap3A_360], %swap3A_363 {strides = array<i32>} : memref<16x32xf32, #tpu.memory_space<vmem>>, vector<1x16xf32>,
    %get3A_364 = arith.constant 1 : i32
    %get3A_365 = arith.index_cast %get3A_364 : i32 to index
    %get3A_366 = arith.constant 16 : index
    %get3A_367 = tpu.vector_load %arg8[%get3A_365, %get3A_366] {strides = array<i32>} : memref<16x32xf32, #tpu.memory_space<vmem>>, vector<1x16xf32>,
    %get3A_368 = vector.shape_cast %get3A_367 : vector<1x16xf32> to vector<16xf32>
    %get3A_369 = arith.constant 16 : index
    %get3A_370 = tpu.vector_load %arg7[%get3A_369] {strides = array<i32>} : memref<32xf32, #tpu.memory_space<vmem>>, vector<16xf32>,
    %get3A_371 = vector.shape_cast %get3A_370 : vector<16xf32> to vector<16xf32>
    %mul3A_372 = arith.mulf %get3A_368, %get3A_371 : vector<16xf32>
    %swap3A_373 = arith.constant 1 : i32
    %swap3A_374 = arith.index_cast %swap3A_373 : i32 to index
    %swap3A_375 = arith.constant 16 : index
    %swap3A_376 = tpu.vector_load %arg8[%swap3A_374, %swap3A_375] {strides = array<i32>} : memref<16x32xf32, #tpu.memory_space<vmem>>, vector<1x16xf32>,
    %swap3A_377 = vector.shape_cast %swap3A_376 : vector<1x16xf32> to vector<16xf32>
    %swap3A_378 = vector.shape_cast %mul3A_372 : vector<16xf32> to vector<1x16xf32>
    tpu.vector_store %arg8[%swap3A_374, %swap3A_375], %swap3A_378 {strides = array<i32>} : memref<16x32xf32, #tpu.memory_space<vmem>>, vector<1x16xf32>,
    %get3A_379 = arith.constant 2 : i32
    %get3A_380 = arith.index_cast %get3A_379 : i32 to index
    %get3A_381 = arith.constant 0 : index
    %get3A_382 = tpu.vector_load %arg8[%get3A_380, %get3A_381] {strides = array<i32>} : memref<16x32xf32, #tpu.memory_space<vmem>>, vector<1x16xf32>,
    %get3A_383 = vector.shape_cast %get3A_382 : vector<1x16xf32> to vector<16xf32>
    %get3A_384 = arith.constant 0 : index
    %get3A_385 = tpu.vector_load %arg7[%get3A_384] {strides = array<i32>} : memref<32xf32, #tpu.memory_space<vmem>>, vector<16xf32>,
    %get3A_386 = vector.shape_cast %get3A_385 : vector<16xf32> to vector<16xf32>
    %mul3A_387 = arith.mulf %get3A_383, %get3A_386 : vector<16xf32>
    %swap3A_388 = arith.constant 2 : i32
    %swap3A_389 = arith.index_cast %swap3A_388 : i32 to index
    %swap3A_390 = arith.constant 0 : index
    %swap3A_391 = tpu.vector_load %arg8[%swap3A_389, %swap3A_390] {strides = array<i32>} : memref<16x32xf32, #tpu.memory_space<vmem>>, vector<1x16xf32>,
    %swap3A_392 = vector.shape_cast %swap3A_391 : vector<1x16xf32> to vector<16xf32>
    %swap3A_393 = vector.shape_cast %mul3A_387 : vector<16xf32> to vector<1x16xf32>
    tpu.vector_store %arg8[%swap3A_389, %swap3A_390], %swap3A_393 {strides = array<i32>} : memref<16x32xf32, #tpu.memory_space<vmem>>, vector<1x16xf32>,
    %get3A_394 = arith.constant 2 : i32
    %get3A_395 = arith.index_cast %get3A_394 : i32 to index
    %get3A_396 = arith.constant 16 : index
    %get3A_397 = tpu.vector_load %arg8[%get3A_395, %get3A_396] {strides = array<i32>} : memref<16x32xf32, #tpu.memory_space<vmem>>, vector<1x16xf32>,
    %get3A_398 = vector.shape_cast %get3A_397 : vector<1x16xf32> to vector<16xf32>
    %get3A_399 = arith.constant 16 : index
    %get3A_400 = tpu.vector_load %arg7[%get3A_399] {strides = array<i32>} : memref<32xf32, #tpu.memory_space<vmem>>, vector<16xf32>,
    %get3A_401 = vector.shape_cast %get3A_400 : vector<16xf32> to vector<16xf32>
    %mul3A_402 = arith.mulf %get3A_398, %get3A_401 : vector<16xf32>
    %swap3A_403 = arith.constant 2 : i32
    %swap3A_404 = arith.index_cast %swap3A_403 : i32 to index
    %swap3A_405 = arith.constant 16 : index
    %swap3A_406 = tpu.vector_load %arg8[%swap3A_404, %swap3A_405] {strides = array<i32>} : memref<16x32xf32, #tpu.memory_space<vmem>>, vector<1x16xf32>,
    %swap3A_407 = vector.shape_cast %swap3A_406 : vector<1x16xf32> to vector<16xf32>
    %swap3A_408 = vector.shape_cast %mul3A_402 : vector<16xf32> to vector<1x16xf32>
    tpu.vector_store %arg8[%swap3A_404, %swap3A_405], %swap3A_408 {strides = array<i32>} : memref<16x32xf32, #tpu.memory_space<vmem>>, vector<1x16xf32>,
    %get3A_409 = arith.constant 3 : i32
    %get3A_410 = arith.index_cast %get3A_409 : i32 to index
    %get3A_411 = arith.constant 0 : index
    %get3A_412 = tpu.vector_load %arg8[%get3A_410, %get3A_411] {strides = array<i32>} : memref<16x32xf32, #tpu.memory_space<vmem>>, vector<1x16xf32>,
    %get3A_413 = vector.shape_cast %get3A_412 : vector<1x16xf32> to vector<16xf32>
    %get3A_414 = arith.constant 0 : index
    %get3A_415 = tpu.vector_load %arg7[%get3A_414] {strides = array<i32>} : memref<32xf32, #tpu.memory_space<vmem>>, vector<16xf32>,
    %get3A_416 = vector.shape_cast %get3A_415 : vector<16xf32> to vector<16xf32>
    %mul3A_417 = arith.mulf %get3A_413, %get3A_416 : vector<16xf32>
    %swap3A_418 = arith.constant 3 : i32
    %swap3A_419 = arith.index_cast %swap3A_418 : i32 to index
    %swap3A_420 = arith.constant 0 : index
    %swap3A_421 = tpu.vector_load %arg8[%swap3A_419, %swap3A_420] {strides = array<i32>} : memref<16x32xf32, #tpu.memory_space<vmem>>, vector<1x16xf32>,
    %swap3A_422 = vector.shape_cast %swap3A_421 : vector<1x16xf32> to vector<16xf32>
    %swap3A_423 = vector.shape_cast %mul3A_417 : vector<16xf32> to vector<1x16xf32>
    tpu.vector_store %arg8[%swap3A_419, %swap3A_420], %swap3A_423 {strides = array<i32>} : memref<16x32xf32, #tpu.memory_space<vmem>>, vector<1x16xf32>,
    %get3A_424 = arith.constant 3 : i32
    %get3A_425 = arith.index_cast %get3A_424 : i32 to index
    %get3A_426 = arith.constant 16 : index
    %get3A_427 = tpu.vector_load %arg8[%get3A_425, %get3A_426] {strides = array<i32>} : memref<16x32xf32, #tpu.memory_space<vmem>>, vector<1x16xf32>,
    %get3A_428 = vector.shape_cast %get3A_427 : vector<1x16xf32> to vector<16xf32>
    %get3A_429 = arith.constant 16 : index
    %get3A_430 = tpu.vector_load %arg7[%get3A_429] {strides = array<i32>} : memref<32xf32, #tpu.memory_space<vmem>>, vector<16xf32>,
    %get3A_431 = vector.shape_cast %get3A_430 : vector<16xf32> to vector<16xf32>
    %mul3A_432 = arith.mulf %get3A_428, %get3A_431 : vector<16xf32>
    %swap3A_433 = arith.constant 3 : i32
    %swap3A_434 = arith.index_cast %swap3A_433 : i32 to index
    %swap3A_435 = arith.constant 16 : index
    %swap3A_436 = tpu.vector_load %arg8[%swap3A_434, %swap3A_435] {strides = array<i32>} : memref<16x32xf32, #tpu.memory_space<vmem>>, vector<1x16xf32>,
    %swap3A_437 = vector.shape_cast %swap3A_436 : vector<1x16xf32> to vector<16xf32>
    %swap3A_438 = vector.shape_cast %mul3A_432 : vector<16xf32> to vector<1x16xf32>
    tpu.vector_store %arg8[%swap3A_434, %swap3A_435], %swap3A_438 {strides = array<i32>} : memref<16x32xf32, #tpu.memory_space<vmem>>, vector<1x16xf32>,
    %get3A_439 = arith.constant 4 : i32
    %get3A_440 = arith.index_cast %get3A_439 : i32 to index
    %get3A_441 = arith.constant 0 : index
    %get3A_442 = tpu.vector_load %arg8[%get3A_440, %get3A_441] {strides = array<i32>} : memref<16x32xf32, #tpu.memory_space<vmem>>, vector<1x16xf32>,
    %get3A_443 = vector.shape_cast %get3A_442 : vector<1x16xf32> to vector<16xf32>
    %get3A_444 = arith.constant 0 : index
    %get3A_445 = tpu.vector_load %arg7[%get3A_444] {strides = array<i32>} : memref<32xf32, #tpu.memory_space<vmem>>, vector<16xf32>,
    %get3A_446 = vector.shape_cast %get3A_445 : vector<16xf32> to vector<16xf32>
    %mul3A_447 = arith.mulf %get3A_443, %get3A_446 : vector<16xf32>
    %swap3A_448 = arith.constant 4 : i32
    %swap3A_449 = arith.index_cast %swap3A_448 : i32 to index
    %swap3A_450 = arith.constant 0 : index
    %swap3A_451 = tpu.vector_load %arg8[%swap3A_449, %swap3A_450] {strides = array<i32>} : memref<16x32xf32, #tpu.memory_space<vmem>>, vector<1x16xf32>,
    %swap3A_452 = vector.shape_cast %swap3A_451 : vector<1x16xf32> to vector<16xf32>
    %swap3A_453 = vector.shape_cast %mul3A_447 : vector<16xf32> to vector<1x16xf32>
    tpu.vector_store %arg8[%swap3A_449, %swap3A_450], %swap3A_453 {strides = array<i32>} : memref<16x32xf32, #tpu.memory_space<vmem>>, vector<1x16xf32>,
    %get3A_454 = arith.constant 4 : i32
    %get3A_455 = arith.index_cast %get3A_454 : i32 to index
    %get3A_456 = arith.constant 16 : index
    %get3A_457 = tpu.vector_load %arg8[%get3A_455, %get3A_456] {strides = array<i32>} : memref<16x32xf32, #tpu.memory_space<vmem>>, vector<1x16xf32>,
    %get3A_458 = vector.shape_cast %get3A_457 : vector<1x16xf32> to vector<16xf32>
    %get3A_459 = arith.constant 16 : index
    %get3A_460 = tpu.vector_load %arg7[%get3A_459] {strides = array<i32>} : memref<32xf32, #tpu.memory_space<vmem>>, vector<16xf32>,
    %get3A_461 = vector.shape_cast %get3A_460 : vector<16xf32> to vector<16xf32>
    %mul3A_462 = arith.mulf %get3A_458, %get3A_461 : vector<16xf32>
    %swap3A_463 = arith.constant 4 : i32
    %swap3A_464 = arith.index_cast %swap3A_463 : i32 to index
    %swap3A_465 = arith.constant 16 : index
    %swap3A_466 = tpu.vector_load %arg8[%swap3A_464, %swap3A_465] {strides = array<i32>} : memref<16x32xf32, #tpu.memory_space<vmem>>, vector<1x16xf32>,
    %swap3A_467 = vector.shape_cast %swap3A_466 : vector<1x16xf32> to vector<16xf32>
    %swap3A_468 = vector.shape_cast %mul3A_462 : vector<16xf32> to vector<1x16xf32>
    tpu.vector_store %arg8[%swap3A_464, %swap3A_465], %swap3A_468 {strides = array<i32>} : memref<16x32xf32, #tpu.memory_space<vmem>>, vector<1x16xf32>,
    %get3A_469 = arith.constant 5 : i32
    %get3A_470 = arith.index_cast %get3A_469 : i32 to index
    %get3A_471 = arith.constant 0 : index
    %get3A_472 = tpu.vector_load %arg8[%get3A_470, %get3A_471] {strides = array<i32>} : memref<16x32xf32, #tpu.memory_space<vmem>>, vector<1x16xf32>,
    %get3A_473 = vector.shape_cast %get3A_472 : vector<1x16xf32> to vector<16xf32>
    %get3A_474 = arith.constant 0 : index
    %get3A_475 = tpu.vector_load %arg7[%get3A_474] {strides = array<i32>} : memref<32xf32, #tpu.memory_space<vmem>>, vector<16xf32>,
    %get3A_476 = vector.shape_cast %get3A_475 : vector<16xf32> to vector<16xf32>
    %mul3A_477 = arith.mulf %get3A_473, %get3A_476 : vector<16xf32>
    %swap3A_478 = arith.constant 5 : i32
    %swap3A_479 = arith.index_cast %swap3A_478 : i32 to index
    %swap3A_480 = arith.constant 0 : index
    %swap3A_481 = tpu.vector_load %arg8[%swap3A_479, %swap3A_480] {strides = array<i32>} : memref<16x32xf32, #tpu.memory_space<vmem>>, vector<1x16xf32>,
    %swap3A_482 = vector.shape_cast %swap3A_481 : vector<1x16xf32> to vector<16xf32>
    %swap3A_483 = vector.shape_cast %mul3A_477 : vector<16xf32> to vector<1x16xf32>
    tpu.vector_store %arg8[%swap3A_479, %swap3A_480], %swap3A_483 {strides = array<i32>} : memref<16x32xf32, #tpu.memory_space<vmem>>, vector<1x16xf32>,
    %get3A_484 = arith.constant 5 : i32
    %get3A_485 = arith.index_cast %get3A_484 : i32 to index
    %get3A_486 = arith.constant 16 : index
    %get3A_487 = tpu.vector_load %arg8[%get3A_485, %get3A_486] {strides = array<i32>} : memref<16x32xf32, #tpu.memory_space<vmem>>, vector<1x16xf32>,
    %get3A_488 = vector.shape_cast %get3A_487 : vector<1x16xf32> to vector<16xf32>
    %get3A_489 = arith.constant 16 : index
    %get3A_490 = tpu.vector_load %arg7[%get3A_489] {strides = array<i32>} : memref<32xf32, #tpu.memory_space<vmem>>, vector<16xf32>,
    %get3A_491 = vector.shape_cast %get3A_490 : vector<16xf32> to vector<16xf32>
    %mul3A_492 = arith.mulf %get3A_488, %get3A_491 : vector<16xf32>
    %swap3A_493 = arith.constant 5 : i32
    %swap3A_494 = arith.index_cast %swap3A_493 : i32 to index
    %swap3A_495 = arith.constant 16 : index
    %swap3A_496 = tpu.vector_load %arg8[%swap3A_494, %swap3A_495] {strides = array<i32>} : memref<16x32xf32, #tpu.memory_space<vmem>>, vector<1x16xf32>,
    %swap3A_497 = vector.shape_cast %swap3A_496 : vector<1x16xf32> to vector<16xf32>
    %swap3A_498 = vector.shape_cast %mul3A_492 : vector<16xf32> to vector<1x16xf32>
    tpu.vector_store %arg8[%swap3A_494, %swap3A_495], %swap3A_498 {strides = array<i32>} : memref<16x32xf32, #tpu.memory_space<vmem>>, vector<1x16xf32>,
    %get3A_499 = arith.constant 6 : i32
    %get3A_500 = arith.index_cast %get3A_499 : i32 to index
    %get3A_501 = arith.constant 0 : index
    %get3A_502 = tpu.vector_load %arg8[%get3A_500, %get3A_501] {strides = array<i32>} : memref<16x32xf32, #tpu.memory_space<vmem>>, vector<1x16xf32>,
    %get3A_503 = vector.shape_cast %get3A_502 : vector<1x16xf32> to vector<16xf32>
    %get3A_504 = arith.constant 0 : index
    %get3A_505 = tpu.vector_load %arg7[%get3A_504] {strides = array<i32>} : memref<32xf32, #tpu.memory_space<vmem>>, vector<16xf32>,
    %get3A_506 = vector.shape_cast %get3A_505 : vector<16xf32> to vector<16xf32>
    %mul3A_507 = arith.mulf %get3A_503, %get3A_506 : vector<16xf32>
    %swap3A_508 = arith.constant 6 : i32
    %swap3A_509 = arith.index_cast %swap3A_508 : i32 to index
    %swap3A_510 = arith.constant 0 : index
    %swap3A_511 = tpu.vector_load %arg8[%swap3A_509, %swap3A_510] {strides = array<i32>} : memref<16x32xf32, #tpu.memory_space<vmem>>, vector<1x16xf32>,
    %swap3A_512 = vector.shape_cast %swap3A_511 : vector<1x16xf32> to vector<16xf32>
    %swap3A_513 = vector.shape_cast %mul3A_507 : vector<16xf32> to vector<1x16xf32>
    tpu.vector_store %arg8[%swap3A_509, %swap3A_510], %swap3A_513 {strides = array<i32>} : memref<16x32xf32, #tpu.memory_space<vmem>>, vector<1x16xf32>,
    %get3A_514 = arith.constant 6 : i32
    %get3A_515 = arith.index_cast %get3A_514 : i32 to index
    %get3A_516 = arith.constant 16 : index
    %get3A_517 = tpu.vector_load %arg8[%get3A_515, %get3A_516] {strides = array<i32>} : memref<16x32xf32, #tpu.memory_space<vmem>>, vector<1x16xf32>,
    %get3A_518 = vector.shape_cast %get3A_517 : vector<1x16xf32> to vector<16xf32>
    %get3A_519 = arith.constant 16 : index
    %get3A_520 = tpu.vector_load %arg7[%get3A_519] {strides = array<i32>} : memref<32xf32, #tpu.memory_space<vmem>>, vector<16xf32>,
    %get3A_521 = vector.shape_cast %get3A_520 : vector<16xf32> to vector<16xf32>
    %mul3A_522 = arith.mulf %get3A_518, %get3A_521 : vector<16xf32>
    %swap3A_523 = arith.constant 6 : i32
    %swap3A_524 = arith.index_cast %swap3A_523 : i32 to index
    %swap3A_525 = arith.constant 16 : index
    %swap3A_526 = tpu.vector_load %arg8[%swap3A_524, %swap3A_525] {strides = array<i32>} : memref<16x32xf32, #tpu.memory_space<vmem>>, vector<1x16xf32>,
    %swap3A_527 = vector.shape_cast %swap3A_526 : vector<1x16xf32> to vector<16xf32>
    %swap3A_528 = vector.shape_cast %mul3A_522 : vector<16xf32> to vector<1x16xf32>
    tpu.vector_store %arg8[%swap3A_524, %swap3A_525], %swap3A_528 {strides = array<i32>} : memref<16x32xf32, #tpu.memory_space<vmem>>, vector<1x16xf32>,
    %get3A_529 = arith.constant 7 : i32
    %get3A_530 = arith.index_cast %get3A_529 : i32 to index
    %get3A_531 = arith.constant 0 : index
    %get3A_532 = tpu.vector_load %arg8[%get3A_530, %get3A_531] {strides = array<i32>} : memref<16x32xf32, #tpu.memory_space<vmem>>, vector<1x16xf32>,
    %get3A_533 = vector.shape_cast %get3A_532 : vector<1x16xf32> to vector<16xf32>
    %get3A_534 = arith.constant 0 : index
    %get3A_535 = tpu.vector_load %arg7[%get3A_534] {strides = array<i32>} : memref<32xf32, #tpu.memory_space<vmem>>, vector<16xf32>,
    %get3A_536 = vector.shape_cast %get3A_535 : vector<16xf32> to vector<16xf32>
    %mul3A_537 = arith.mulf %get3A_533, %get3A_536 : vector<16xf32>
    %swap3A_538 = arith.constant 7 : i32
    %swap3A_539 = arith.index_cast %swap3A_538 : i32 to index
    %swap3A_540 = arith.constant 0 : index
    %swap3A_541 = tpu.vector_load %arg8[%swap3A_539, %swap3A_540] {strides = array<i32>} : memref<16x32xf32, #tpu.memory_space<vmem>>, vector<1x16xf32>,
    %swap3A_542 = vector.shape_cast %swap3A_541 : vector<1x16xf32> to vector<16xf32>
    %swap3A_543 = vector.shape_cast %mul3A_537 : vector<16xf32> to vector<1x16xf32>
    tpu.vector_store %arg8[%swap3A_539, %swap3A_540], %swap3A_543 {strides = array<i32>} : memref<16x32xf32, #tpu.memory_space<vmem>>, vector<1x16xf32>,
    %get3A_544 = arith.constant 7 : i32
    %get3A_545 = arith.index_cast %get3A_544 : i32 to index
    %get3A_546 = arith.constant 16 : index
    %get3A_547 = tpu.vector_load %arg8[%get3A_545, %get3A_546] {strides = array<i32>} : memref<16x32xf32, #tpu.memory_space<vmem>>, vector<1x16xf32>,
    %get3A_548 = vector.shape_cast %get3A_547 : vector<1x16xf32> to vector<16xf32>
    %get3A_549 = arith.constant 16 : index
    %get3A_550 = tpu.vector_load %arg7[%get3A_549] {strides = array<i32>} : memref<32xf32, #tpu.memory_space<vmem>>, vector<16xf32>,
    %get3A_551 = vector.shape_cast %get3A_550 : vector<16xf32> to vector<16xf32>
    %mul3A_552 = arith.mulf %get3A_548, %get3A_551 : vector<16xf32>
    %swap3A_553 = arith.constant 7 : i32
    %swap3A_554 = arith.index_cast %swap3A_553 : i32 to index
    %swap3A_555 = arith.constant 16 : index
    %swap3A_556 = tpu.vector_load %arg8[%swap3A_554, %swap3A_555] {strides = array<i32>} : memref<16x32xf32, #tpu.memory_space<vmem>>, vector<1x16xf32>,
    %swap3A_557 = vector.shape_cast %swap3A_556 : vector<1x16xf32> to vector<16xf32>
    %swap3A_558 = vector.shape_cast %mul3A_552 : vector<16xf32> to vector<1x16xf32>
    tpu.vector_store %arg8[%swap3A_554, %swap3A_555], %swap3A_558 {strides = array<i32>} : memref<16x32xf32, #tpu.memory_space<vmem>>, vector<1x16xf32>,
    %get3A_559 = arith.constant 8 : i32
    %get3A_560 = arith.index_cast %get3A_559 : i32 to index
    %get3A_561 = arith.constant 0 : index
    %get3A_562 = tpu.vector_load %arg8[%get3A_560, %get3A_561] {strides = array<i32>} : memref<16x32xf32, #tpu.memory_space<vmem>>, vector<1x16xf32>,
    %get3A_563 = vector.shape_cast %get3A_562 : vector<1x16xf32> to vector<16xf32>
    %get3A_564 = arith.constant 0 : index
    %get3A_565 = tpu.vector_load %arg7[%get3A_564] {strides = array<i32>} : memref<32xf32, #tpu.memory_space<vmem>>, vector<16xf32>,
    %get3A_566 = vector.shape_cast %get3A_565 : vector<16xf32> to vector<16xf32>
    %mul3A_567 = arith.mulf %get3A_563, %get3A_566 : vector<16xf32>
    %swap3A_568 = arith.constant 8 : i32
    %swap3A_569 = arith.index_cast %swap3A_568 : i32 to index
    %swap3A_570 = arith.constant 0 : index
    %swap3A_571 = tpu.vector_load %arg8[%swap3A_569, %swap3A_570] {strides = array<i32>} : memref<16x32xf32, #tpu.memory_space<vmem>>, vector<1x16xf32>,
    %swap3A_572 = vector.shape_cast %swap3A_571 : vector<1x16xf32> to vector<16xf32>
    %swap3A_573 = vector.shape_cast %mul3A_567 : vector<16xf32> to vector<1x16xf32>
    tpu.vector_store %arg8[%swap3A_569, %swap3A_570], %swap3A_573 {strides = array<i32>} : memref<16x32xf32, #tpu.memory_space<vmem>>, vector<1x16xf32>,
    %get3A_574 = arith.constant 8 : i32
    %get3A_575 = arith.index_cast %get3A_574 : i32 to index
    %get3A_576 = arith.constant 16 : index
    %get3A_577 = tpu.vector_load %arg8[%get3A_575, %get3A_576] {strides = array<i32>} : memref<16x32xf32, #tpu.memory_space<vmem>>, vector<1x16xf32>,
    %get3A_578 = vector.shape_cast %get3A_577 : vector<1x16xf32> to vector<16xf32>
    %get3A_579 = arith.constant 16 : index
    %get3A_580 = tpu.vector_load %arg7[%get3A_579] {strides = array<i32>} : memref<32xf32, #tpu.memory_space<vmem>>, vector<16xf32>,
    %get3A_581 = vector.shape_cast %get3A_580 : vector<16xf32> to vector<16xf32>
    %mul3A_582 = arith.mulf %get3A_578, %get3A_581 : vector<16xf32>
    %swap3A_583 = arith.constant 8 : i32
    %swap3A_584 = arith.index_cast %swap3A_583 : i32 to index
    %swap3A_585 = arith.constant 16 : index
    %swap3A_586 = tpu.vector_load %arg8[%swap3A_584, %swap3A_585] {strides = array<i32>} : memref<16x32xf32, #tpu.memory_space<vmem>>, vector<1x16xf32>,
    %swap3A_587 = vector.shape_cast %swap3A_586 : vector<1x16xf32> to vector<16xf32>
    %swap3A_588 = vector.shape_cast %mul3A_582 : vector<16xf32> to vector<1x16xf32>
    tpu.vector_store %arg8[%swap3A_584, %swap3A_585], %swap3A_588 {strides = array<i32>} : memref<16x32xf32, #tpu.memory_space<vmem>>, vector<1x16xf32>,
    %get3A_589 = arith.constant 9 : i32
    %get3A_590 = arith.index_cast %get3A_589 : i32 to index
    %get3A_591 = arith.constant 0 : index
    %get3A_592 = tpu.vector_load %arg8[%get3A_590, %get3A_591] {strides = array<i32>} : memref<16x32xf32, #tpu.memory_space<vmem>>, vector<1x16xf32>,
    %get3A_593 = vector.shape_cast %get3A_592 : vector<1x16xf32> to vector<16xf32>
    %get3A_594 = arith.constant 0 : index
    %get3A_595 = tpu.vector_load %arg7[%get3A_594] {strides = array<i32>} : memref<32xf32, #tpu.memory_space<vmem>>, vector<16xf32>,
    %get3A_596 = vector.shape_cast %get3A_595 : vector<16xf32> to vector<16xf32>
    %mul3A_597 = arith.mulf %get3A_593, %get3A_596 : vector<16xf32>
    %swap3A_598 = arith.constant 9 : i32
    %swap3A_599 = arith.index_cast %swap3A_598 : i32 to index
    %swap3A_600 = arith.constant 0 : index
    %swap3A_601 = tpu.vector_load %arg8[%swap3A_599, %swap3A_600] {strides = array<i32>} : memref<16x32xf32, #tpu.memory_space<vmem>>, vector<1x16xf32>,
    %swap3A_602 = vector.shape_cast %swap3A_601 : vector<1x16xf32> to vector<16xf32>
    %swap3A_603 = vector.shape_cast %mul3A_597 : vector<16xf32> to vector<1x16xf32>
    tpu.vector_store %arg8[%swap3A_599, %swap3A_600], %swap3A_603 {strides = array<i32>} : memref<16x32xf32, #tpu.memory_space<vmem>>, vector<1x16xf32>,
    %get3A_604 = arith.constant 9 : i32
    %get3A_605 = arith.index_cast %get3A_604 : i32 to index
    %get3A_606 = arith.constant 16 : index
    %get3A_607 = tpu.vector_load %arg8[%get3A_605, %get3A_606] {strides = array<i32>} : memref<16x32xf32, #tpu.memory_space<vmem>>, vector<1x16xf32>,
    %get3A_608 = vector.shape_cast %get3A_607 : vector<1x16xf32> to vector<16xf32>
    %get3A_609 = arith.constant 16 : index
    %get3A_610 = tpu.vector_load %arg7[%get3A_609] {strides = array<i32>} : memref<32xf32, #tpu.memory_space<vmem>>, vector<16xf32>,
    %get3A_611 = vector.shape_cast %get3A_610 : vector<16xf32> to vector<16xf32>
    %mul3A_612 = arith.mulf %get3A_608, %get3A_611 : vector<16xf32>
    %swap3A_613 = arith.constant 9 : i32
    %swap3A_614 = arith.index_cast %swap3A_613 : i32 to index
    %swap3A_615 = arith.constant 16 : index
    %swap3A_616 = tpu.vector_load %arg8[%swap3A_614, %swap3A_615] {strides = array<i32>} : memref<16x32xf32, #tpu.memory_space<vmem>>, vector<1x16xf32>,
    %swap3A_617 = vector.shape_cast %swap3A_616 : vector<1x16xf32> to vector<16xf32>
    %swap3A_618 = vector.shape_cast %mul3A_612 : vector<16xf32> to vector<1x16xf32>
    tpu.vector_store %arg8[%swap3A_614, %swap3A_615], %swap3A_618 {strides = array<i32>} : memref<16x32xf32, #tpu.memory_space<vmem>>, vector<1x16xf32>,
    %get3A_619 = arith.constant 10 : i32
    %get3A_620 = arith.index_cast %get3A_619 : i32 to index
    %get3A_621 = arith.constant 0 : index
    %get3A_622 = tpu.vector_load %arg8[%get3A_620, %get3A_621] {strides = array<i32>} : memref<16x32xf32, #tpu.memory_space<vmem>>, vector<1x16xf32>,
    %get3A_623 = vector.shape_cast %get3A_622 : vector<1x16xf32> to vector<16xf32>
    %get3A_624 = arith.constant 0 : index
    %get3A_625 = tpu.vector_load %arg7[%get3A_624] {strides = array<i32>} : memref<32xf32, #tpu.memory_space<vmem>>, vector<16xf32>,
    %get3A_626 = vector.shape_cast %get3A_625 : vector<16xf32> to vector<16xf32>
    %mul3A_627 = arith.mulf %get3A_623, %get3A_626 : vector<16xf32>
    %swap3A_628 = arith.constant 10 : i32
    %swap3A_629 = arith.index_cast %swap3A_628 : i32 to index
    %swap3A_630 = arith.constant 0 : index
    %swap3A_631 = tpu.vector_load %arg8[%swap3A_629, %swap3A_630] {strides = array<i32>} : memref<16x32xf32, #tpu.memory_space<vmem>>, vector<1x16xf32>,
    %swap3A_632 = vector.shape_cast %swap3A_631 : vector<1x16xf32> to vector<16xf32>
    %swap3A_633 = vector.shape_cast %mul3A_627 : vector<16xf32> to vector<1x16xf32>
    tpu.vector_store %arg8[%swap3A_629, %swap3A_630], %swap3A_633 {strides = array<i32>} : memref<16x32xf32, #tpu.memory_space<vmem>>, vector<1x16xf32>,
    %get3A_634 = arith.constant 10 : i32
    %get3A_635 = arith.index_cast %get3A_634 : i32 to index
    %get3A_636 = arith.constant 16 : index
    %get3A_637 = tpu.vector_load %arg8[%get3A_635, %get3A_636] {strides = array<i32>} : memref<16x32xf32, #tpu.memory_space<vmem>>, vector<1x16xf32>,
    %get3A_638 = vector.shape_cast %get3A_637 : vector<1x16xf32> to vector<16xf32>
    %get3A_639 = arith.constant 16 : index
    %get3A_640 = tpu.vector_load %arg7[%get3A_639] {strides = array<i32>} : memref<32xf32, #tpu.memory_space<vmem>>, vector<16xf32>,
    %get3A_641 = vector.shape_cast %get3A_640 : vector<16xf32> to vector<16xf32>
    %mul3A_642 = arith.mulf %get3A_638, %get3A_641 : vector<16xf32>
    %swap3A_643 = arith.constant 10 : i32
    %swap3A_644 = arith.index_cast %swap3A_643 : i32 to index
    %swap3A_645 = arith.constant 16 : index
    %swap3A_646 = tpu.vector_load %arg8[%swap3A_644, %swap3A_645] {strides = array<i32>} : memref<16x32xf32, #tpu.memory_space<vmem>>, vector<1x16xf32>,
    %swap3A_647 = vector.shape_cast %swap3A_646 : vector<1x16xf32> to vector<16xf32>
    %swap3A_648 = vector.shape_cast %mul3A_642 : vector<16xf32> to vector<1x16xf32>
    tpu.vector_store %arg8[%swap3A_644, %swap3A_645], %swap3A_648 {strides = array<i32>} : memref<16x32xf32, #tpu.memory_space<vmem>>, vector<1x16xf32>,
    %get3A_649 = arith.constant 11 : i32
    %get3A_650 = arith.index_cast %get3A_649 : i32 to index
    %get3A_651 = arith.constant 0 : index
    %get3A_652 = tpu.vector_load %arg8[%get3A_650, %get3A_651] {strides = array<i32>} : memref<16x32xf32, #tpu.memory_space<vmem>>, vector<1x16xf32>,
    %get3A_653 = vector.shape_cast %get3A_652 : vector<1x16xf32> to vector<16xf32>
    %get3A_654 = arith.constant 0 : index
    %get3A_655 = tpu.vector_load %arg7[%get3A_654] {strides = array<i32>} : memref<32xf32, #tpu.memory_space<vmem>>, vector<16xf32>,
    %get3A_656 = vector.shape_cast %get3A_655 : vector<16xf32> to vector<16xf32>
    %mul3A_657 = arith.mulf %get3A_653, %get3A_656 : vector<16xf32>
    %swap3A_658 = arith.constant 11 : i32
    %swap3A_659 = arith.index_cast %swap3A_658 : i32 to index
    %swap3A_660 = arith.constant 0 : index
    %swap3A_661 = tpu.vector_load %arg8[%swap3A_659, %swap3A_660] {strides = array<i32>} : memref<16x32xf32, #tpu.memory_space<vmem>>, vector<1x16xf32>,
    %swap3A_662 = vector.shape_cast %swap3A_661 : vector<1x16xf32> to vector<16xf32>
    %swap3A_663 = vector.shape_cast %mul3A_657 : vector<16xf32> to vector<1x16xf32>
    tpu.vector_store %arg8[%swap3A_659, %swap3A_660], %swap3A_663 {strides = array<i32>} : memref<16x32xf32, #tpu.memory_space<vmem>>, vector<1x16xf32>,
    %get3A_664 = arith.constant 11 : i32
    %get3A_665 = arith.index_cast %get3A_664 : i32 to index
    %get3A_666 = arith.constant 16 : index
    %get3A_667 = tpu.vector_load %arg8[%get3A_665, %get3A_666] {strides = array<i32>} : memref<16x32xf32, #tpu.memory_space<vmem>>, vector<1x16xf32>,
    %get3A_668 = vector.shape_cast %get3A_667 : vector<1x16xf32> to vector<16xf32>
    %get3A_669 = arith.constant 16 : index
    %get3A_670 = tpu.vector_load %arg7[%get3A_669] {strides = array<i32>} : memref<32xf32, #tpu.memory_space<vmem>>, vector<16xf32>,
    %get3A_671 = vector.shape_cast %get3A_670 : vector<16xf32> to vector<16xf32>
    %mul3A_672 = arith.mulf %get3A_668, %get3A_671 : vector<16xf32>
    %swap3A_673 = arith.constant 11 : i32
    %swap3A_674 = arith.index_cast %swap3A_673 : i32 to index
    %swap3A_675 = arith.constant 16 : index
    %swap3A_676 = tpu.vector_load %arg8[%swap3A_674, %swap3A_675] {strides = array<i32>} : memref<16x32xf32, #tpu.memory_space<vmem>>, vector<1x16xf32>,
    %swap3A_677 = vector.shape_cast %swap3A_676 : vector<1x16xf32> to vector<16xf32>
    %swap3A_678 = vector.shape_cast %mul3A_672 : vector<16xf32> to vector<1x16xf32>
    tpu.vector_store %arg8[%swap3A_674, %swap3A_675], %swap3A_678 {strides = array<i32>} : memref<16x32xf32, #tpu.memory_space<vmem>>, vector<1x16xf32>,
    %get3A_679 = arith.constant 12 : i32
    %get3A_680 = arith.index_cast %get3A_679 : i32 to index
    %get3A_681 = arith.constant 0 : index
    %get3A_682 = tpu.vector_load %arg8[%get3A_680, %get3A_681] {strides = array<i32>} : memref<16x32xf32, #tpu.memory_space<vmem>>, vector<1x16xf32>,
    %get3A_683 = vector.shape_cast %get3A_682 : vector<1x16xf32> to vector<16xf32>
    %get3A_684 = arith.constant 0 : index
    %get3A_685 = tpu.vector_load %arg7[%get3A_684] {strides = array<i32>} : memref<32xf32, #tpu.memory_space<vmem>>, vector<16xf32>,
    %get3A_686 = vector.shape_cast %get3A_685 : vector<16xf32> to vector<16xf32>
    %mul3A_687 = arith.mulf %get3A_683, %get3A_686 : vector<16xf32>
    %swap3A_688 = arith.constant 12 : i32
    %swap3A_689 = arith.index_cast %swap3A_688 : i32 to index
    %swap3A_690 = arith.constant 0 : index
    %swap3A_691 = tpu.vector_load %arg8[%swap3A_689, %swap3A_690] {strides = array<i32>} : memref<16x32xf32, #tpu.memory_space<vmem>>, vector<1x16xf32>,
    %swap3A_692 = vector.shape_cast %swap3A_691 : vector<1x16xf32> to vector<16xf32>
    %swap3A_693 = vector.shape_cast %mul3A_687 : vector<16xf32> to vector<1x16xf32>
    tpu.vector_store %arg8[%swap3A_689, %swap3A_690], %swap3A_693 {strides = array<i32>} : memref<16x32xf32, #tpu.memory_space<vmem>>, vector<1x16xf32>,
    %get3A_694 = arith.constant 12 : i32
    %get3A_695 = arith.index_cast %get3A_694 : i32 to index
    %get3A_696 = arith.constant 16 : index
    %get3A_697 = tpu.vector_load %arg8[%get3A_695, %get3A_696] {strides = array<i32>} : memref<16x32xf32, #tpu.memory_space<vmem>>, vector<1x16xf32>,
    %get3A_698 = vector.shape_cast %get3A_697 : vector<1x16xf32> to vector<16xf32>
    %get3A_699 = arith.constant 16 : index
    %get3A_700 = tpu.vector_load %arg7[%get3A_699] {strides = array<i32>} : memref<32xf32, #tpu.memory_space<vmem>>, vector<16xf32>,
    %get3A_701 = vector.shape_cast %get3A_700 : vector<16xf32> to vector<16xf32>
    %mul3A_702 = arith.mulf %get3A_698, %get3A_701 : vector<16xf32>
    %swap3A_703 = arith.constant 12 : i32
    %swap3A_704 = arith.index_cast %swap3A_703 : i32 to index
    %swap3A_705 = arith.constant 16 : index
    %swap3A_706 = tpu.vector_load %arg8[%swap3A_704, %swap3A_705] {strides = array<i32>} : memref<16x32xf32, #tpu.memory_space<vmem>>, vector<1x16xf32>,
    %swap3A_707 = vector.shape_cast %swap3A_706 : vector<1x16xf32> to vector<16xf32>
    %swap3A_708 = vector.shape_cast %mul3A_702 : vector<16xf32> to vector<1x16xf32>
    tpu.vector_store %arg8[%swap3A_704, %swap3A_705], %swap3A_708 {strides = array<i32>} : memref<16x32xf32, #tpu.memory_space<vmem>>, vector<1x16xf32>,
    %get3A_709 = arith.constant 13 : i32
    %get3A_710 = arith.index_cast %get3A_709 : i32 to index
    %get3A_711 = arith.constant 0 : index
    %get3A_712 = tpu.vector_load %arg8[%get3A_710, %get3A_711] {strides = array<i32>} : memref<16x32xf32, #tpu.memory_space<vmem>>, vector<1x16xf32>,
    %get3A_713 = vector.shape_cast %get3A_712 : vector<1x16xf32> to vector<16xf32>
    %get3A_714 = arith.constant 0 : index
    %get3A_715 = tpu.vector_load %arg7[%get3A_714] {strides = array<i32>} : memref<32xf32, #tpu.memory_space<vmem>>, vector<16xf32>,
    %get3A_716 = vector.shape_cast %get3A_715 : vector<16xf32> to vector<16xf32>
    %mul3A_717 = arith.mulf %get3A_713, %get3A_716 : vector<16xf32>
    %swap3A_718 = arith.constant 13 : i32
    %swap3A_719 = arith.index_cast %swap3A_718 : i32 to index
    %swap3A_720 = arith.constant 0 : index
    %swap3A_721 = tpu.vector_load %arg8[%swap3A_719, %swap3A_720] {strides = array<i32>} : memref<16x32xf32, #tpu.memory_space<vmem>>, vector<1x16xf32>,
    %swap3A_722 = vector.shape_cast %swap3A_721 : vector<1x16xf32> to vector<16xf32>
    %swap3A_723 = vector.shape_cast %mul3A_717 : vector<16xf32> to vector<1x16xf32>
    tpu.vector_store %arg8[%swap3A_719, %swap3A_720], %swap3A_723 {strides = array<i32>} : memref<16x32xf32, #tpu.memory_space<vmem>>, vector<1x16xf32>,
    %get3A_724 = arith.constant 13 : i32
    %get3A_725 = arith.index_cast %get3A_724 : i32 to index
    %get3A_726 = arith.constant 16 : index
    %get3A_727 = tpu.vector_load %arg8[%get3A_725, %get3A_726] {strides = array<i32>} : memref<16x32xf32, #tpu.memory_space<vmem>>, vector<1x16xf32>,
    %get3A_728 = vector.shape_cast %get3A_727 : vector<1x16xf32> to vector<16xf32>
    %get3A_729 = arith.constant 16 : index
    %get3A_730 = tpu.vector_load %arg7[%get3A_729] {strides = array<i32>} : memref<32xf32, #tpu.memory_space<vmem>>, vector<16xf32>,
    %get3A_731 = vector.shape_cast %get3A_730 : vector<16xf32> to vector<16xf32>
    %mul3A_732 = arith.mulf %get3A_728, %get3A_731 : vector<16xf32>
    %swap3A_733 = arith.constant 13 : i32
    %swap3A_734 = arith.index_cast %swap3A_733 : i32 to index
    %swap3A_735 = arith.constant 16 : index
    %swap3A_736 = tpu.vector_load %arg8[%swap3A_734, %swap3A_735] {strides = array<i32>} : memref<16x32xf32, #tpu.memory_space<vmem>>, vector<1x16xf32>,
    %swap3A_737 = vector.shape_cast %swap3A_736 : vector<1x16xf32> to vector<16xf32>
    %swap3A_738 = vector.shape_cast %mul3A_732 : vector<16xf32> to vector<1x16xf32>
    tpu.vector_store %arg8[%swap3A_734, %swap3A_735], %swap3A_738 {strides = array<i32>} : memref<16x32xf32, #tpu.memory_space<vmem>>, vector<1x16xf32>,
    %get3A_739 = arith.constant 14 : i32
    %get3A_740 = arith.index_cast %get3A_739 : i32 to index
    %get3A_741 = arith.constant 0 : index
    %get3A_742 = tpu.vector_load %arg8[%get3A_740, %get3A_741] {strides = array<i32>} : memref<16x32xf32, #tpu.memory_space<vmem>>, vector<1x16xf32>,
    %get3A_743 = vector.shape_cast %get3A_742 : vector<1x16xf32> to vector<16xf32>
    %get3A_744 = arith.constant 0 : index
    %get3A_745 = tpu.vector_load %arg7[%get3A_744] {strides = array<i32>} : memref<32xf32, #tpu.memory_space<vmem>>, vector<16xf32>,
    %get3A_746 = vector.shape_cast %get3A_745 : vector<16xf32> to vector<16xf32>
    %mul3A_747 = arith.mulf %get3A_743, %get3A_746 : vector<16xf32>
    %swap3A_748 = arith.constant 14 : i32
    %swap3A_749 = arith.index_cast %swap3A_748 : i32 to index
    %swap3A_750 = arith.constant 0 : index
    %swap3A_751 = tpu.vector_load %arg8[%swap3A_749, %swap3A_750] {strides = array<i32>} : memref<16x32xf32, #tpu.memory_space<vmem>>, vector<1x16xf32>,
    %swap3A_752 = vector.shape_cast %swap3A_751 : vector<1x16xf32> to vector<16xf32>
    %swap3A_753 = vector.shape_cast %mul3A_747 : vector<16xf32> to vector<1x16xf32>
    tpu.vector_store %arg8[%swap3A_749, %swap3A_750], %swap3A_753 {strides = array<i32>} : memref<16x32xf32, #tpu.memory_space<vmem>>, vector<1x16xf32>,
    %get3A_754 = arith.constant 14 : i32
    %get3A_755 = arith.index_cast %get3A_754 : i32 to index
    %get3A_756 = arith.constant 16 : index
    %get3A_757 = tpu.vector_load %arg8[%get3A_755, %get3A_756] {strides = array<i32>} : memref<16x32xf32, #tpu.memory_space<vmem>>, vector<1x16xf32>,
    %get3A_758 = vector.shape_cast %get3A_757 : vector<1x16xf32> to vector<16xf32>
    %get3A_759 = arith.constant 16 : index
    %get3A_760 = tpu.vector_load %arg7[%get3A_759] {strides = array<i32>} : memref<32xf32, #tpu.memory_space<vmem>>, vector<16xf32>,
    %get3A_761 = vector.shape_cast %get3A_760 : vector<16xf32> to vector<16xf32>
    %mul3A_762 = arith.mulf %get3A_758, %get3A_761 : vector<16xf32>
    %swap3A_763 = arith.constant 14 : i32
    %swap3A_764 = arith.index_cast %swap3A_763 : i32 to index
    %swap3A_765 = arith.constant 16 : index
    %swap3A_766 = tpu.vector_load %arg8[%swap3A_764, %swap3A_765] {strides = array<i32>} : memref<16x32xf32, #tpu.memory_space<vmem>>, vector<1x16xf32>,
    %swap3A_767 = vector.shape_cast %swap3A_766 : vector<1x16xf32> to vector<16xf32>
    %swap3A_768 = vector.shape_cast %mul3A_762 : vector<16xf32> to vector<1x16xf32>
    tpu.vector_store %arg8[%swap3A_764, %swap3A_765], %swap3A_768 {strides = array<i32>} : memref<16x32xf32, #tpu.memory_space<vmem>>, vector<1x16xf32>,
    %get3A_769 = arith.constant 15 : i32
    %get3A_770 = arith.index_cast %get3A_769 : i32 to index
    %get3A_771 = arith.constant 0 : index
    %get3A_772 = tpu.vector_load %arg8[%get3A_770, %get3A_771] {strides = array<i32>} : memref<16x32xf32, #tpu.memory_space<vmem>>, vector<1x16xf32>,
    %get3A_773 = vector.shape_cast %get3A_772 : vector<1x16xf32> to vector<16xf32>
    %get3A_774 = arith.constant 0 : index
    %get3A_775 = tpu.vector_load %arg7[%get3A_774] {strides = array<i32>} : memref<32xf32, #tpu.memory_space<vmem>>, vector<16xf32>,
    %get3A_776 = vector.shape_cast %get3A_775 : vector<16xf32> to vector<16xf32>
    %mul3A_777 = arith.mulf %get3A_773, %get3A_776 : vector<16xf32>
    %swap3A_778 = arith.constant 15 : i32
    %swap3A_779 = arith.index_cast %swap3A_778 : i32 to index
    %swap3A_780 = arith.constant 0 : index
    %swap3A_781 = tpu.vector_load %arg8[%swap3A_779, %swap3A_780] {strides = array<i32>} : memref<16x32xf32, #tpu.memory_space<vmem>>, vector<1x16xf32>,
    %swap3A_782 = vector.shape_cast %swap3A_781 : vector<1x16xf32> to vector<16xf32>
    %swap3A_783 = vector.shape_cast %mul3A_777 : vector<16xf32> to vector<1x16xf32>
    tpu.vector_store %arg8[%swap3A_779, %swap3A_780], %swap3A_783 {strides = array<i32>} : memref<16x32xf32, #tpu.memory_space<vmem>>, vector<1x16xf32>,
    %get3A_784 = arith.constant 15 : i32
    %get3A_785 = arith.index_cast %get3A_784 : i32 to index
    %get3A_786 = arith.constant 16 : index
    %get3A_787 = tpu.vector_load %arg8[%get3A_785, %get3A_786] {strides = array<i32>} : memref<16x32xf32, #tpu.memory_space<vmem>>, vector<1x16xf32>,
    %get3A_788 = vector.shape_cast %get3A_787 : vector<1x16xf32> to vector<16xf32>
    %get3A_789 = arith.constant 16 : index
    %get3A_790 = tpu.vector_load %arg7[%get3A_789] {strides = array<i32>} : memref<32xf32, #tpu.memory_space<vmem>>, vector<16xf32>,
    %get3A_791 = vector.shape_cast %get3A_790 : vector<16xf32> to vector<16xf32>
    %mul3A_792 = arith.mulf %get3A_788, %get3A_791 : vector<16xf32>
    %swap3A_793 = arith.constant 15 : i32
    %swap3A_794 = arith.index_cast %swap3A_793 : i32 to index
    %swap3A_795 = arith.constant 16 : index
    %swap3A_796 = tpu.vector_load %arg8[%swap3A_794, %swap3A_795] {strides = array<i32>} : memref<16x32xf32, #tpu.memory_space<vmem>>, vector<1x16xf32>,
    %swap3A_797 = vector.shape_cast %swap3A_796 : vector<1x16xf32> to vector<16xf32>
    %swap3A_798 = vector.shape_cast %mul3A_792 : vector<16xf32> to vector<1x16xf32>
    tpu.vector_store %arg8[%swap3A_794, %swap3A_795], %swap3A_798 {strides = array<i32>} : memref<16x32xf32, #tpu.memory_space<vmem>>, vector<1x16xf32>,
    "tpu.region"() ({
      %run_scoped3A = tpu.sem_alloc : memref<!tpu.dma_semaphore, #tpu.memory_space<semaphore_mem>>
      %dma_start3A_799 = arith.constant 0 : i32
      %dma_start3A_800 = tpu.memref_slice %arg5[%dma_start3A_799, %mul3A_2] : memref<16x1024xf32, #tpu.memory_space<hbm>> -> memref<16x32xf32, #tpu.memory_space<hbm>>
      %dma_start3A_801 = arith.constant 0 : i32
      %dma_start3A_802 = tpu.memref_slice %arg5[%dma_start3A_801, %mul3A_2] : memref<16x1024xf32, #tpu.memory_space<hbm>> -> memref<16x32xf32, #tpu.memory_space<hbm>>
      tpu.enqueue_dma source(%arg8 : memref<16x32xf32, #tpu.memory_space<vmem>>) target(%dma_start3A_802 : memref<16x32xf32, #tpu.memory_space<hbm>>) target_semaphore(%run_scoped3A : memref<!tpu.dma_semaphore, #tpu.memory_space<semaphore_mem>>)
      %dma_wait3A_803 = arith.constant 0 : i32
      %dma_wait3A_804 = tpu.memref_slice %arg5[%dma_wait3A_803, %mul3A_2] : memref<16x1024xf32, #tpu.memory_space<hbm>> -> memref<16x32xf32, #tpu.memory_space<hbm>>
      %dma_wait3A_805 = arith.constant 0 : i32
      %dma_wait3A_806 = tpu.memref_slice %arg5[%dma_wait3A_805, %mul3A_2] : memref<16x1024xf32, #tpu.memory_space<hbm>> -> memref<16x32xf32, #tpu.memory_space<hbm>>
      tpu.wait_dma2 semaphore(%run_scoped3A : memref<!tpu.dma_semaphore, #tpu.memory_space<semaphore_mem>>) src(%arg8 : memref<16x32xf32, #tpu.memory_space<vmem>>) dst(%dma_wait3A_806 : memref<16x32xf32, #tpu.memory_space<hbm>>)
      tpu.yield
    }) : () -> ()
    return
  }
}

module attributes {stable_mosaic.version = 14 : i64} {
  func.func @_scan_body(%arg0: i32, %arg1: memref<1024x16xf32, #tpu.memory_space<vmem>>, %arg2: memref<16x2048xf32, #tpu.memory_space<vmem>>, %arg3: memref<1024xi32, #tpu.memory_space<vmem>>, %arg4: memref<1024xf32, #tpu.memory_space<vmem>>, %arg5: memref<1024x16xbf16, #tpu.memory_space<vmem>>, %arg6: memref<2048x3xbf16, #tpu.memory_space<vmem>>, %arg7: memref<1024x1xf32, #tpu.memory_space<vmem>>, %arg8: memref<1024x1xf32, #tpu.memory_space<vmem>>, %arg9: memref<1024x1xf32, #tpu.memory_space<vmem>>) attributes {dimension_semantics = [#tpu.dimension_semantics<arbitrary>], iteration_bounds = array<i64: 49>, scalar_prefetch = 0 : i64, scratch_operands = 5 : i64, tpu.core_type = #tpu.core_type<tc>, window_params = [{pipeline_mode = #tpu.pipeline_mode<synchronous>, transform_indices = @transform_0, window_bounds = array<i64: 1024, 16>}, {transform_indices = @transform_1, window_bounds = array<i64: 16, 2048>}, {pipeline_mode = #tpu.pipeline_mode<synchronous>, transform_indices = @transform_2, window_bounds = array<i64: 1024>}, {pipeline_mode = #tpu.pipeline_mode<synchronous>, transform_indices = @transform_3, window_bounds = array<i64: 1024>}]} {
    %eq3A = arith.constant 0 : i32
    %eq3A_0 = arith.cmpi eq, %arg0, %eq3A : i32
    %convert_element_type3A = arith.extui %eq3A_0 : i1 to i32
    %cond3A = arith.constant 0 : i32
    %cond3A_1 = arith.cmpi ne, %convert_element_type3A, %cond3A : i32
    scf.if %cond3A_1 {
      %get3A_88 = arith.constant 0 : index
      %get3A_89 = arith.constant 0 : index
      %get3A_90 = vector.load %arg1[%get3A_88, %get3A_89] : memref<1024x16xf32, #tpu.memory_space<vmem>>, vector<1024x16xf32>
      %mul3A_91 = arith.mulf %get3A_90, %get3A_90 : vector<1024x16xf32>
      %reduce_sum3A_92 = arith.constant dense<0.000000e+00> : vector<1024xf32>
      %reduce_sum3A_93 = vector.multi_reduction <add>, %mul3A_91, %reduce_sum3A_92 [1] : vector<1024x16xf32> to vector<1024xf32>
      %broadcast_in_dim3A_94 = vector.shape_cast %reduce_sum3A_93 : vector<1024xf32> to vector<1024x1xf32>
      %sqrt3A_95 = math.sqrt %broadcast_in_dim3A_94 : vector<1024x1xf32>
      %max3A_96 = arith.constant 9.99999996E-13 : f32
      %max3A_97 = vector.broadcast %max3A_96 : f32 to vector<1024x1xf32>
      %max3A_98 = arith.maximumf %sqrt3A_95, %max3A_97 : vector<1024x1xf32>
      %div3A_99 = vector.broadcast %max3A_98 : vector<1024x1xf32> to vector<1024x16xf32>
      %div3A_100 = arith.divf %get3A_90, %div3A_99 : vector<1024x16xf32>
      %convert_element_type3A_101 = arith.truncf %div3A_100 : vector<1024x16xf32> to vector<1024x16xbf16>
      %swap3A_102 = arith.constant 0 : index
      %swap3A_103 = arith.constant 0 : index
      %swap3A_104 = vector.load %arg5[%swap3A_102, %swap3A_103] : memref<1024x16xbf16, #tpu.memory_space<vmem>>, vector<1024x16xbf16>
      tpu.vector_store %arg5[%swap3A_102, %swap3A_103], %convert_element_type3A_101 {strides = array<i32>} : memref<1024x16xbf16, #tpu.memory_space<vmem>>, vector<1024x16xbf16>,
      %iota3A_105 = tpu.iota {dimensions = array<i32: 0>} : vector<2048x3xi32>
      %iota3A_106 = tpu.iota {dimensions = array<i32: 1>} : vector<2048x3xi32>
      %eq3A_107 = arith.constant 0 : i32
      %eq3A_108 = vector.broadcast %eq3A_107 : i32 to vector<2048x3xi32>
      %eq3A_109 = arith.cmpi eq, %iota3A_106, %eq3A_108 : vector<2048x3xi32>
      %shift_right_arithmetic3A = arith.constant 4 : i32
      %shift_right_arithmetic3A_110 = vector.broadcast %shift_right_arithmetic3A : i32 to vector<2048x3xi32>
      %shift_right_arithmetic3A_111 = arith.shrsi %iota3A_105, %shift_right_arithmetic3A_110 : vector<2048x3xi32>
      %eq3A_112 = arith.constant 1 : i32
      %eq3A_113 = vector.broadcast %eq3A_112 : i32 to vector<2048x3xi32>
      %eq3A_114 = arith.cmpi eq, %iota3A_106, %eq3A_113 : vector<2048x3xi32>
      %and3A = arith.constant 15 : i32
      %and3A_115 = vector.broadcast %and3A : i32 to vector<2048x3xi32>
      %and3A_116 = arith.andi %iota3A_105, %and3A_115 : vector<2048x3xi32>
      %jit3A_117 = arith.constant 1 : i32
      %broadcast_in_dim3A_118 = vector.broadcast %jit3A_117 : i32 to vector<2048x3xi32>
      %select_n3A_119 = arith.select %eq3A_114, %and3A_116, %broadcast_in_dim3A_118 : vector<2048x3xi1>, vector<2048x3xi32>
      %select_n3A_120 = arith.select %eq3A_109, %shift_right_arithmetic3A_111, %select_n3A_119 : vector<2048x3xi1>, vector<2048x3xi32>
      %convert_element_type3A_121 = arith.sitofp %select_n3A_120 : vector<2048x3xi32> to vector<2048x3xbf16>
      %swap3A_122 = arith.constant 0 : index
      %swap3A_123 = arith.constant 0 : index
      %swap3A_124 = vector.load %arg6[%swap3A_122, %swap3A_123] : memref<2048x3xbf16, #tpu.memory_space<vmem>>, vector<2048x3xbf16>
      tpu.vector_store %arg6[%swap3A_122, %swap3A_123], %convert_element_type3A_121 {strides = array<i32>} : memref<2048x3xbf16, #tpu.memory_space<vmem>>, vector<2048x3xbf16>,
      %broadcast_in_dim3A_125 = arith.constant 0xFF800000 : f32
      %broadcast_in_dim3A_126 = vector.broadcast %broadcast_in_dim3A_125 : f32 to vector<1024x1xf32>
      %swap3A_127 = arith.constant 0 : index
      %swap3A_128 = arith.constant 0 : index
      %swap3A_129 = vector.load %arg7[%swap3A_127, %swap3A_128] : memref<1024x1xf32, #tpu.memory_space<vmem>>, vector<1024x1xf32>
      tpu.vector_store %arg7[%swap3A_127, %swap3A_128], %broadcast_in_dim3A_126 {strides = array<i32>} : memref<1024x1xf32, #tpu.memory_space<vmem>>, vector<1024x1xf32>,
      %broadcast_in_dim3A_130 = arith.constant 0.000000e+00 : f32
      %broadcast_in_dim3A_131 = vector.broadcast %broadcast_in_dim3A_130 : f32 to vector<1024x1xf32>
      %swap3A_132 = arith.constant 0 : index
      %swap3A_133 = arith.constant 0 : index
      %swap3A_134 = vector.load %arg8[%swap3A_132, %swap3A_133] : memref<1024x1xf32, #tpu.memory_space<vmem>>, vector<1024x1xf32>
      tpu.vector_store %arg8[%swap3A_132, %swap3A_133], %broadcast_in_dim3A_131 {strides = array<i32>} : memref<1024x1xf32, #tpu.memory_space<vmem>>, vector<1024x1xf32>,
    } else {
    }
    %get3A = arith.constant 0 : index
    %get3A_2 = arith.constant 0 : index
    %get3A_3 = vector.load %arg2[%get3A, %get3A_2] : memref<16x2048xf32, #tpu.memory_space<vmem>>, vector<16x2048xf32>
    %iota3A = tpu.iota {dimensions = array<i32: 1>} : vector<1x2048xi32>
    %mul3A = arith.constant 2048 : i32
    %mul3A_4 = arith.muli %arg0, %mul3A : i32
    %add3A = vector.broadcast %mul3A_4 : i32 to vector<1x2048xi32>
    %add3A_5 = arith.addi %iota3A, %add3A : vector<1x2048xi32>
    %lt3A = arith.constant 100000 : i32
    %lt3A_6 = vector.broadcast %lt3A : i32 to vector<1x2048xi32>
    %lt3A_7 = arith.cmpi slt, %add3A_5, %lt3A_6 : vector<1x2048xi32>
    %jit3A = arith.constant 0.000000e+00 : f32
    %broadcast_in_dim3A = vector.shape_cast %lt3A_7 : vector<1x2048xi1> to vector<1x2048xi1>
    %broadcast_in_dim3A_8 = vector.broadcast %broadcast_in_dim3A : vector<1x2048xi1> to vector<16x2048xi1>
    %broadcast_in_dim3A_9 = vector.broadcast %jit3A : f32 to vector<16x2048xf32>
    %select_n3A = arith.select %broadcast_in_dim3A_8, %get3A_3, %broadcast_in_dim3A_9 : vector<16x2048xi1>, vector<16x2048xf32>
    %mul3A_10 = arith.mulf %select_n3A, %select_n3A : vector<16x2048xf32>
    %reduce_sum3A = arith.constant dense<0.000000e+00> : vector<2048xf32>
    %reduce_sum3A_11 = vector.multi_reduction <add>, %mul3A_10, %reduce_sum3A [0] : vector<16x2048xf32> to vector<2048xf32>
    %broadcast_in_dim3A_12 = vector.shape_cast %reduce_sum3A_11 : vector<2048xf32> to vector<1x2048xf32>
    %sqrt3A = math.sqrt %broadcast_in_dim3A_12 : vector<1x2048xf32>
    %max3A = arith.constant 9.99999996E-13 : f32
    %max3A_13 = vector.broadcast %max3A : f32 to vector<1x2048xf32>
    %max3A_14 = arith.maximumf %sqrt3A, %max3A_13 : vector<1x2048xf32>
    %div3A = vector.broadcast %max3A_14 : vector<1x2048xf32> to vector<16x2048xf32>
    %div3A_15 = arith.divf %select_n3A, %div3A : vector<16x2048xf32>
    %convert_element_type3A_16 = arith.truncf %div3A_15 : vector<16x2048xf32> to vector<16x2048xbf16>
    %get3A_17 = arith.constant 0 : index
    %get3A_18 = arith.constant 0 : index
    %get3A_19 = vector.load %arg5[%get3A_17, %get3A_18] : memref<1024x16xbf16, #tpu.memory_space<vmem>>, vector<1024x16xbf16>
    %dot_general3A = arith.constant dense<0.000000e+00> : vector<1024x2048xf32>
    %dot_general3A_20 = tpu.matmul %get3A_19, %convert_element_type3A_16, %dot_general3A {dimension_numbers = #tpu.dot_dimension_numbers<[1], [0], [0], [1], [0, 0, 1, 1], [], []>, transpose_lhs_hint = false} : vector<1024x16xbf16>, vector<16x2048xbf16>, vector<1024x2048xf32> -> vector<1024x2048xf32>
    %reduce_max3A = arith.constant dense<0xFF800000> : vector<1024xf32>
    %reduce_max3A_21 = vector.multi_reduction <maximumf>, %dot_general3A_20, %reduce_max3A [1] : vector<1024x2048xf32> to vector<1024xf32>
    %broadcast_in_dim3A_22 = vector.shape_cast %reduce_max3A_21 : vector<1024xf32> to vector<1024x1xf32>
    %eq3A_23 = vector.broadcast %broadcast_in_dim3A_22 : vector<1024x1xf32> to vector<1024x2048xf32>
    %eq3A_24 = arith.cmpf oeq, %dot_general3A_20, %eq3A_23 : vector<1024x2048xf32>
    %convert_element_type3A_25 = arith.extui %eq3A_24 : vector<1024x2048xi1> to vector<1024x2048xi32>
    %convert_element_type3A_26 = arith.sitofp %convert_element_type3A_25 : vector<1024x2048xi32> to vector<1024x2048xf32>
    %convert_element_type3A_27 = arith.truncf %convert_element_type3A_26 : vector<1024x2048xf32> to vector<1024x2048xbf16>
    %get3A_28 = arith.constant 0 : index
    %get3A_29 = arith.constant 0 : index
    %get3A_30 = vector.load %arg6[%get3A_28, %get3A_29] : memref<2048x3xbf16, #tpu.memory_space<vmem>>, vector<2048x3xbf16>
    %dot_general3A_31 = arith.constant dense<0.000000e+00> : vector<1024x3xf32>
    %dot_general3A_32 = tpu.matmul %convert_element_type3A_27, %get3A_30, %dot_general3A_31 {dimension_numbers = #tpu.dot_dimension_numbers<[1], [0], [0], [1], [0, 0, 1, 1], [], []>, transpose_lhs_hint = false} : vector<1024x2048xbf16>, vector<2048x3xbf16>, vector<1024x3xf32> -> vector<1024x3xf32>
    %slice3A = vector.extract_strided_slice %dot_general3A_32 {offsets = [0, 0], sizes = [1024, 1], strides = [1, 1]} : vector<1024x3xf32> to vector<1024x1xf32>
    %mul3A_33 = arith.constant 1.600000e+01 : f32
    %mul3A_34 = vector.broadcast %mul3A_33 : f32 to vector<1024x1xf32>
    %mul3A_35 = arith.mulf %slice3A, %mul3A_34 : vector<1024x1xf32>
    %slice3A_36 = vector.extract_strided_slice %dot_general3A_32 {offsets = [0, 1], sizes = [1024, 1], strides = [1, 1]} : vector<1024x3xf32> to vector<1024x1xf32>
    %add3A_37 = arith.addf %mul3A_35, %slice3A_36 : vector<1024x1xf32>
    %slice3A_38 = vector.extract_strided_slice %dot_general3A_32 {offsets = [0, 2], sizes = [1024, 1], strides = [1, 1]} : vector<1024x3xf32> to vector<1024x1xf32>
    %swap3A = arith.constant 0 : index
    %swap3A_39 = arith.constant 0 : index
    %swap3A_40 = vector.load %arg9[%swap3A, %swap3A_39] : memref<1024x1xf32, #tpu.memory_space<vmem>>, vector<1024x1xf32>
    tpu.vector_store %arg9[%swap3A, %swap3A_39], %add3A_37 {strides = array<i32>} : memref<1024x1xf32, #tpu.memory_space<vmem>>, vector<1024x1xf32>,
    %gt3A = arith.constant 1.000000e+00 : f32
    %gt3A_41 = vector.broadcast %gt3A : f32 to vector<1024x1xf32>
    %gt3A_42 = arith.cmpf ogt, %slice3A_38, %gt3A_41 : vector<1024x1xf32>
    %reduce_or3A = arith.constant 1.000000e+00 : f32
    %reduce_or3A_43 = arith.constant 0.000000e+00 : f32
    %reduce_or3A_44 = vector.broadcast %reduce_or3A : f32 to vector<1024x1xf32>
    %reduce_or3A_45 = vector.broadcast %reduce_or3A_43 : f32 to vector<1024x1xf32>
    %reduce_or3A_46 = arith.select %gt3A_42, %reduce_or3A_44, %reduce_or3A_45 : vector<1024x1xi1>, vector<1024x1xf32>
    %reduce_or3A_47 = vector.shape_cast %reduce_or3A_46 : vector<1024x1xf32> to vector<1x1024x1xf32>
    %reduce_or3A_48 = arith.constant dense<0xFF800000> : vector<1xf32>
    %reduce_or3A_49 = vector.multi_reduction <maximumf>, %reduce_or3A_47, %reduce_or3A_48 [1, 2] : vector<1x1024x1xf32> to vector<1xf32>
    %reduce_or3A_50 = vector.shape_cast %reduce_or3A_49 : vector<1xf32> to vector<1x1x1xf32>
    %reduce_or3A_51 = vector.extract %reduce_or3A_50[0, 0, 0] : f32 from vector<1x1x1xf32>
    %reduce_or3A_52 = arith.constant 0.000000e+00 : f32
    %reduce_or3A_53 = arith.cmpf ogt, %reduce_or3A_51, %reduce_or3A_52 : f32
    %convert_element_type3A_54 = arith.extui %reduce_or3A_53 : i1 to i32
    %cond3A_55 = arith.constant 0 : i32
    %cond3A_56 = arith.cmpi ne, %convert_element_type3A_54, %cond3A_55 : i32
    scf.if %cond3A_56 {
      %iota3A_88 = tpu.iota {dimensions = array<i32: 1>} : vector<1024x2048xi32>
      %convert_element_type3A_89 = arith.sitofp %iota3A_88 : vector<1024x2048xi32> to vector<1024x2048xf32>
      %eq3A_90 = vector.broadcast %broadcast_in_dim3A_22 : vector<1024x1xf32> to vector<1024x2048xf32>
      %eq3A_91 = arith.cmpf oeq, %dot_general3A_20, %eq3A_90 : vector<1024x2048xf32>
      %jit3A_92 = arith.constant 0x4B800000 : f32
      %broadcast_in_dim3A_93 = vector.broadcast %jit3A_92 : f32 to vector<1024x2048xf32>
      %select_n3A_94 = arith.select %eq3A_91, %convert_element_type3A_89, %broadcast_in_dim3A_93 : vector<1024x2048xi1>, vector<1024x2048xf32>
      %reduce_min3A = arith.constant dense<0x7F800000> : vector<1024xf32>
      %reduce_min3A_95 = vector.multi_reduction <minimumf>, %select_n3A_94, %reduce_min3A [1] : vector<1024x2048xf32> to vector<1024xf32>
      %broadcast_in_dim3A_96 = vector.shape_cast %reduce_min3A_95 : vector<1024xf32> to vector<1024x1xf32>
      %gt3A_97 = arith.constant 1.000000e+00 : f32
      %gt3A_98 = vector.broadcast %gt3A_97 : f32 to vector<1024x1xf32>
      %gt3A_99 = arith.cmpf ogt, %slice3A_38, %gt3A_98 : vector<1024x1xf32>
      %get3A_100 = arith.constant 0 : index
      %get3A_101 = arith.constant 0 : index
      %get3A_102 = vector.load %arg9[%get3A_100, %get3A_101] : memref<1024x1xf32, #tpu.memory_space<vmem>>, vector<1024x1xf32>
      %select_n3A_103 = arith.select %gt3A_99, %broadcast_in_dim3A_96, %get3A_102 : vector<1024x1xi1>, vector<1024x1xf32>
      %swap3A_104 = arith.constant 0 : index
      %swap3A_105 = arith.constant 0 : index
      %swap3A_106 = vector.load %arg9[%swap3A_104, %swap3A_105] : memref<1024x1xf32, #tpu.memory_space<vmem>>, vector<1024x1xf32>
      tpu.vector_store %arg9[%swap3A_104, %swap3A_105], %select_n3A_103 {strides = array<i32>} : memref<1024x1xf32, #tpu.memory_space<vmem>>, vector<1024x1xf32>,
    } else {
    }
    %get3A_57 = arith.constant 0 : index
    %get3A_58 = arith.constant 0 : index
    %get3A_59 = vector.load %arg9[%get3A_57, %get3A_58] : memref<1024x1xf32, #tpu.memory_space<vmem>>, vector<1024x1xf32>
    %mul3A_60 = arith.constant 2048 : i32
    %mul3A_61 = arith.muli %arg0, %mul3A_60 : i32
    %convert_element_type3A_62 = arith.sitofp %mul3A_61 : i32 to f32
    %add3A_63 = vector.broadcast %convert_element_type3A_62 : f32 to vector<1024x1xf32>
    %add3A_64 = arith.addf %get3A_59, %add3A_63 : vector<1024x1xf32>
    %get3A_65 = arith.constant 0 : index
    %get3A_66 = arith.constant 0 : index
    %get3A_67 = vector.load %arg7[%get3A_65, %get3A_66] : memref<1024x1xf32, #tpu.memory_space<vmem>>, vector<1024x1xf32>
    %gt3A_68 = arith.cmpf ogt, %broadcast_in_dim3A_22, %get3A_67 : vector<1024x1xf32>
    %get3A_69 = arith.constant 0 : index
    %get3A_70 = arith.constant 0 : index
    %get3A_71 = vector.load %arg7[%get3A_69, %get3A_70] : memref<1024x1xf32, #tpu.memory_space<vmem>>, vector<1024x1xf32>
    %select_n3A_72 = arith.select %gt3A_68, %broadcast_in_dim3A_22, %get3A_71 : vector<1024x1xi1>, vector<1024x1xf32>
    %swap3A_73 = arith.constant 0 : index
    %swap3A_74 = arith.constant 0 : index
    %swap3A_75 = vector.load %arg7[%swap3A_73, %swap3A_74] : memref<1024x1xf32, #tpu.memory_space<vmem>>, vector<1024x1xf32>
    tpu.vector_store %arg7[%swap3A_73, %swap3A_74], %select_n3A_72 {strides = array<i32>} : memref<1024x1xf32, #tpu.memory_space<vmem>>, vector<1024x1xf32>,
    %get3A_76 = arith.constant 0 : index
    %get3A_77 = arith.constant 0 : index
    %get3A_78 = vector.load %arg8[%get3A_76, %get3A_77] : memref<1024x1xf32, #tpu.memory_space<vmem>>, vector<1024x1xf32>
    %select_n3A_79 = arith.select %gt3A_68, %add3A_64, %get3A_78 : vector<1024x1xi1>, vector<1024x1xf32>
    %swap3A_80 = arith.constant 0 : index
    %swap3A_81 = arith.constant 0 : index
    %swap3A_82 = vector.load %arg8[%swap3A_80, %swap3A_81] : memref<1024x1xf32, #tpu.memory_space<vmem>>, vector<1024x1xf32>
    tpu.vector_store %arg8[%swap3A_80, %swap3A_81], %select_n3A_79 {strides = array<i32>} : memref<1024x1xf32, #tpu.memory_space<vmem>>, vector<1024x1xf32>,
    %eq3A_83 = arith.constant 48 : i32
    %eq3A_84 = arith.cmpi eq, %arg0, %eq3A_83 : i32
    %convert_element_type3A_85 = arith.extui %eq3A_84 : i1 to i32
    %cond3A_86 = arith.constant 0 : i32
    %cond3A_87 = arith.cmpi ne, %convert_element_type3A_85, %cond3A_86 : i32
    scf.if %cond3A_87 {
      %get3A_88 = arith.constant 0 : index
      %get3A_89 = arith.constant 0 : index
      %get3A_90 = vector.load %arg8[%get3A_88, %get3A_89] : memref<1024x1xf32, #tpu.memory_space<vmem>>, vector<1024x1xf32>
      %min3A = arith.constant 9.999900e+04 : f32
      %min3A_91 = vector.broadcast %min3A : f32 to vector<1024x1xf32>
      %min3A_92 = arith.minimumf %get3A_90, %min3A_91 : vector<1024x1xf32>
      %convert_element_type3A_93 = arith.fptosi %min3A_92 : vector<1024x1xf32> to vector<1024x1xi32>
      %reshape3A = vector.shape_cast %convert_element_type3A_93 : vector<1024x1xi32> to vector<1024xi32>
      %swap3A_94 = arith.constant 0 : index
      %swap3A_95 = vector.load %arg3[%swap3A_94] : memref<1024xi32, #tpu.memory_space<vmem>>, vector<1024xi32>
      tpu.vector_store %arg3[%swap3A_94], %reshape3A {strides = array<i32>} : memref<1024xi32, #tpu.memory_space<vmem>>, vector<1024xi32>,
      %get3A_96 = arith.constant 0 : index
      %get3A_97 = arith.constant 0 : index
      %get3A_98 = vector.load %arg7[%get3A_96, %get3A_97] : memref<1024x1xf32, #tpu.memory_space<vmem>>, vector<1024x1xf32>
      %gt3A_99 = arith.constant 8.000000e-01 : f32
      %gt3A_100 = vector.broadcast %gt3A_99 : f32 to vector<1024x1xf32>
      %gt3A_101 = arith.cmpf ogt, %get3A_98, %gt3A_100 : vector<1024x1xf32>
      %convert_element_type3A_102 = arith.extui %gt3A_101 : vector<1024x1xi1> to vector<1024x1xi32>
      %convert_element_type3A_103 = arith.sitofp %convert_element_type3A_102 : vector<1024x1xi32> to vector<1024x1xf32>
      %reshape3A_104 = vector.shape_cast %convert_element_type3A_103 : vector<1024x1xf32> to vector<1024xf32>
      %swap3A_105 = arith.constant 0 : index
      %swap3A_106 = vector.load %arg4[%swap3A_105] : memref<1024xf32, #tpu.memory_space<vmem>>, vector<1024xf32>
      tpu.vector_store %arg4[%swap3A_105], %reshape3A_104 {strides = array<i32>} : memref<1024xf32, #tpu.memory_space<vmem>>, vector<1024xf32>,
    } else {
    }
    return
  }
  func.func @transform_0(%arg0: i32) -> (i32, i32) {
    %c0_i32 = arith.constant 0 : i32
    %c0_i32_0 = arith.constant 0 : i32
    %c0_i32_1 = arith.constant 0 : i32
    return %c0_i32, %c0_i32_0 : i32, i32
  }
  func.func @transform_1(%arg0: i32) -> (i32, i32) {
    %c0_i32 = arith.constant 0 : i32
    %c0_i32_0 = arith.constant 0 : i32
    return %c0_i32, %arg0 : i32, i32
  }
  func.func @transform_2(%arg0: i32) -> i32 {
    %c0_i32 = arith.constant 0 : i32
    %c0_i32_0 = arith.constant 0 : i32
    return %c0_i32 : i32
  }
  func.func @transform_3(%arg0: i32) -> i32 {
    %c0_i32 = arith.constant 0 : i32
    %c0_i32_0 = arith.constant 0 : i32
    return %c0_i32 : i32
  }
}

</mosaic_0001>

<sc_bundles>
// kernel: kernel.4.cloned.1.call-start
scs
__scs_entry_jumppad:
0x0: {  	(pc) =	sbr.rel $0x88, $3  }
0x1: {  	(tag) =	ssettag $0x0;
	lr =	simm.s32 $0x1  }
0x2: {  	[smem:$0x3F9F] =	sst lr;
	_ =	strace $0xD0000000  }
0x3: {  	_ = 	snop  }
0x4: {  	_ = 	snop  }
0x5: {  	_ = 	snop  }
0x6: {  	_ = 	snop  }
0x7: {  	_ = 	snop  }
__scs_overlays_trampoline_lowered:
0x8: {  	[smem:$0x3FAE] =	sst s0  }
0x9: {  	[smem:$0x3FAF] =	sst s1  }
0xa: {  	[smem:$0x3FB0] =	sst s2  }
0xb: {  	[smem:$0x3FB1] =	sst s3  }
0xc: {  	[smem:$0x3FB2] =	sst s4  }
0xd: {  	[smem:$0x3FB3] =	sst s5  }
0xe: {  	[smem:$0x3FB4] =	sst s6  }
0xf: {  	[smem:$0x3FB5] =	sst s7  }
0x10: {  	[smem:$0x3FB6] =	sst s8  }
0x11: {  	[smem:$0x3FB7] =	sst s9;
	s0 =	simm.s32 @!p0 $0x0  }
0x12: {  	s1 =	sld [smem:$0x3F9D];
	s0 =	simm.s32 @p0 $0x1  }
0x13: {  	[smem:$0x3FB8] =	sst s0;
	s0 =	simm.s32 @!p1 $0x0  }
0x14: {  	s2 =	sld [smem:$0x3F9C];
	s0 =	simm.s32 @p1 $0x1  }
0x15: {  	[smem:$0x3FB9] =	sst s0;
	s0 =	simm.s32 @!p2 $0x0  }
0x16: {  	s3 =	sld [smem:$0x3FDB];
	s0 =	simm.s32 @p2 $0x1  }
0x17: {  	s4 =	simm.s32 $0x1BF5;
	[smem:$0x3FBB] =	sst s0  }
0x18: {  	s0 =	sld [smem:$0x3F9E];
	_ =	swait.ge [sflag:s4], $0x0  }
0x19: {  	s7 =	sld [smem:$0x3F9F]  }
0x1a: {  	s8 =	sadd.s32 $0xFFFFE003, lr  }
0x1b: {  	s9 =	sadd.s32 $0xFFFFFEF7, lr;
	s5 =	simm.s32 $0xFFFFFFFF;
	p2 =	slt.u32 s8, $0xFFFFF086  }
0x1c: {  	p1 =	slt.u32 s9, $0xF7A;
	s5 =	simm.s32 @!p2 $0x0  }
0x1d: {  	s5 =	simm.s32 @p1 $0x1;
	p0 =	seq.s32 s7, s2  }
0x1e: {  	s7 =	smul.u32 @!p0 $0xF7A, s2;
	p2 =	seq.s32 @!p0 s5, $0x0  }
0x1f: {  	s9 =	smul.u32 $0xF7A, s1;
	s8 =	simm.s32 @!p0 $0x1BF5;
	p2 =	por !p2, p0  }
0x20: {  	[sflag:s8] =	ssyncset.s32 @!p0 $0xFFFFF086;
	s6 =	sadd.s32 @!p0 s3, s7;
	s7 =	simm.s32 @!p0 $0x108  }
0x21: {  	s3 =	sadd.s32 s3, s9;
	s6 =	sadd.s32 @!p0 $0x88, s6;
	s7 =	simm.s32 @p2 $0x1082  }
0x22: {  	[simem:s7], [sflag:s8] =	dma.local @!p0 [hbm:s6], $0xF7A  }
0x23: {  	s9 =	sor.u32 $0xD0000000, s2;
	s6 =	simm.s32 $0x108;
	_ =	swait.ge @!p0 [sflag:s8], $0x0  }
0x24: {  	s3 =	sadd.s32 $0x88, s3;
	s6 =	simm.s32 @!p1 $0x1082;
	[sflag:s4] =	ssyncset.s32 $0xFFFFF086  }
0x25: {  	[simem:s6], [sflag:s4] =	dma.local [hbm:s3], $0xF7A  }
0x26: {  	[smem:$0x3F9F] =	sst s1;
	(tag) =	ssettag s2;
	_ =	strace s9  }
0x27: {  	s1 =	sld [smem:$0x3FAF]  }
0x28: {  	s2 =	sld [smem:$0x3FB0]  }
0x29: {  	s4 =	sld [smem:$0x3FB2]  }
0x2a: {  	p0 =	seq.s32 s5, $0x0;
	s5 =	sld [smem:$0x3FB3]  }
0x2b: {  	s6 =	sld [smem:$0x3FB4]  }
0x2c: {  	s7 =	sld [smem:$0x3FB5]  }
0x2d: {  	s3 =	simm.s32 $0x108;
	s8 =	sld [smem:$0x3FB6]  }
0x2e: {  	s3 =	simm.s32 @!p0 $0x1082;
	s9 =	sld [smem:$0x3FB7]  }
0x2f: {  	lr =	sadd.s32 s0, s3;
	s0 =	sld [smem:$0x3FAE]  }
0x30: {  	s3 =	sld [smem:$0x3FB1]  }
0x31: {  	[smem:$0x3FBA] =	sst s10  }
0x32: {  	s10 =	sld [smem:$0x3FB8];
	_ =	sdelay $0x3  }
0x33: {  	p0 =	seq.s32 s10, $0x1;
	s10 =	sld [smem:$0x3FBA];
	_ =	sdelay $0x3  }
0x34: {  	[smem:$0x3FBA] =	sst s10  }
0x35: {  	s10 =	sld [smem:$0x3FB9];
	_ =	sdelay $0x3  }
0x36: {  	p1 =	seq.s32 s10, $0x1;
	s10 =	sld [smem:$0x3FBA];
	_ =	sdelay $0x3  }
0x37: {  	[smem:$0x3FBA] =	sst s10  }
0x38: {  	s10 =	sld [smem:$0x3FBB]  }
0x39: {  	_ = 	snop;
	(pc) =	sbr.ind lr, $3  }
0x3a: {  	_ = 	snop  }
0x3b: {  	_ = 	snop  }
0x3c: {  	p2 =	seq.s32 s10, $0x1;
	s10 =	sld [smem:$0x3FBA]  }
0x3d: {  	_ =	shalt  }
0x3e: {  	_ =	shalt  }
0x3f: {  	_ =	shalt  }
0x40: {  	_ =	shalt  }
0x41: {  	_ =	shalt  }
0x42: {  	_ =	shalt  }
0x43: {  	_ =	shalt  }
0x44: {  	_ =	shalt  }
0x45: {  	_ =	shalt  }
0x46: {  	_ =	shalt  }
0x47: {  	_ =	shalt  }
0x48: {  	_ =	shalt  }
0x49: {  	_ =	shalt  }
0x4a: {  	_ =	shalt  }
0x4b: {  	_ =	shalt  }
0x4c: {  	_ =	shalt  }
0x4d: {  	_ =	shalt  }
0x4e: {  	_ =	shalt  }
0x4f: {  	_ =	shalt  }
0x50: {  	_ =	shalt  }
0x51: {  	_ =	shalt  }
0x52: {  	_ =	shalt  }
0x53: {  	_ =	shalt  }
0x54: {  	_ =	shalt  }
0x55: {  	_ =	shalt  }
0x56: {  	_ =	shalt  }
0x57: {  	_ =	shalt  }
0x58: {  	_ =	shalt  }
0x59: {  	_ =	shalt  }
0x5a: {  	_ =	shalt  }
0x5b: {  	_ =	shalt  }
0x5c: {  	_ =	shalt  }
0x5d: {  	_ =	shalt  }
0x5e: {  	_ =	shalt  }
0x5f: {  	_ =	shalt  }
0x60: {  	_ =	shalt  }
0x61: {  	_ =	shalt  }
0x62: {  	_ =	shalt  }
0x63: {  	_ =	shalt  }
0x64: {  	_ =	shalt  }
0x65: {  	_ =	shalt  }
0x66: {  	_ =	shalt  }
0x67: {  	_ =	shalt  }
0x68: {  	_ =	shalt  }
0x69: {  	_ =	shalt  }
0x6a: {  	_ =	shalt  }
0x6b: {  	_ =	shalt  }
0x6c: {  	_ =	shalt  }
0x6d: {  	_ =	shalt  }
0x6e: {  	_ =	shalt  }
0x6f: {  	_ =	shalt  }
0x70: {  	_ =	shalt  }
0x71: {  	_ =	shalt  }
0x72: {  	_ =	shalt  }
0x73: {  	_ =	shalt  }
0x74: {  	_ =	shalt  }
0x75: {  	_ =	shalt  }
0x76: {  	_ =	shalt  }
0x77: {  	_ =	shalt  }
0x78: {  	_ =	shalt  }
0x79: {  	_ =	shalt  }
0x7a: {  	_ =	shalt  }
0x7b: {  	_ =	shalt  }
0x7c: {  	_ =	shalt  }
0x7d: {  	_ =	shalt  }
0x7e: {  	_ =	shalt  }
0x7f: {  	_ =	shalt  }
0x80: {  	_ =	shalt  }
0x81: {  	_ =	shalt  }
0x82: {  	_ =	shalt  }
0x83: {  	_ =	shalt  }
0x84: {  	_ =	shalt  }
0x85: {  	_ =	shalt  }
0x86: {  	_ =	shalt  }
0x87: {  	_ =	shalt  }
.Lfunc_end0:
.L_simem_size_0:
called_computation_lowered:
.L_overlay_start_0:
0x88: {  	s2 =	sld [smem:$0x3FD9]  }
0x89: {  	s3 =	sld [smem:$0x3FFE];
	_ =	sdelay $0x1  }
0x8a: {  	s1 =	srdreg.scid  }
0x8b: {  	s0 =	sand.u32 $0x1, s1  }
0x8c: {  	s17 =	sshll.u32 s0, $0xA;
	s2 =	sadd.s32 s3, s2  }
0x8d: {  	s2 =	sadd.s32 s2, s17  }
0x8e: {  	[smem:$0x3FC6] =	sst s2  }
0x8f: {  	_ = 	snop  }
0x90: {  	s2 =	sld [smem:$0x3FD0];
	(tm) =	ssettm $0x1  }
0x91: {  	s18 =	sld [smem:$0x3FFB];
	_ =	sdelay $0x3  }
0x92: {  	_ =	strace s18  }
0x93: {  	s3 =	sld [smem:$0x3FFC];
	_ =	sdelay $0x3  }
0x94: {  	_ =	strace s3  }
0x95: {  	s3 =	sld [smem:$0x3FFD];
	_ =	sdelay $0x3  }
0x96: {  	_ =	strace s3  }
0x97: {  	_ =	strace $0x8FFFFFFF  }
0x98: {  	s19 =	sld [smem:$0x3FDB];
	_ =	sdelay $0x1  }
0x99: {  	s4 =	simm.s32 $_scs_section_size  }
0x9a: {  	s5 =	simm.s32 $_size__tile_overlayer_lowered;
	s6 =	simm.s32 $_tile_overlayer_lowered  }
0x9b: {  	s22 =	simm.s32 $0x1BFF;
	s21 =	sshll.u32 s6, $0x1;
	s3 =	sadd.s32 s4, s19  }
0x9c: {  	s7 =	simm.s32 $0x0;
	s20 =	sshll.u32 s5, $0x1;
	s5 =	sadd.s32 s21, s3  }
0x9d: {  	[timem:s7], [sflag:s22] =	dma.local [hbm:s5], s20  }
0x9e: {  	_ =	swait.ge [sflag:s22], s20  }
0x9f: {  	s4 =	ssub.s32 $0x0, s20;
	[sflag:s22] =	ssyncset.done $0x0  }
0xa0: {  	[sflag:s22] =	ssyncadd.s32 s4;
	_ =	sdelay $0x1  }
0xa1: {  	s23 =	simm.s32 $0x1B8B  }
0xa2: {  	_ =	swait.ge [sflag:s23], $0x1  }
0xa3: {  	[sflag:s23] =	ssyncset.done $0x0  }
0xa4: {  	s25 =	simm.s32 $0x1B8E;
	s24 =	sld [smem:$0x3FFE];
	[sflag:s23] =	ssyncadd.s32 $0xFFFFFFFF  }
0xa5: {  	s26 =	simm.s32 $execute0_lowered;
	[smem:$0x3FD2] =	sst s25  }
0xa6: {  	s5 =	sshll.u32 s26, $0x1;
	_ =	strace $0x80000046;
	[dreg:$0x1] =	wrdreg $0xFFFFFFFF  }
0xa7: {  	s28 =	simm.s32 $_size_execute0_lowered;
	s3 =	sadd.s32 s3, s5;
	[dreg:$0x0] =	wrdreg $0x0  }
0xa8: {  	s5 =	sshll.u32 s28, $0x1;
	[dreg:$0x2] =	wrdreg s3  }
0xa9: {  	[dreg:$0x3] =	wrdreg s5  }
0xaa: {  	[dreg:$0x4] =	wrdreg $0xC0  }
0xab: {  	_ =	task [dreg:s7], $0x5FFFF  }
0xac: {  	[dreg:$0x1] =	wrdreg $0xFFFFFFFF  }
0xad: {  	[dreg:$0x0] =	wrdreg $0x60  }
0xae: {  	[dreg:$0x2] =	wrdreg s24  }
0xaf: {  	[dreg:$0x3] =	wrdreg s2  }
0xb0: {  	[dreg:$0x4] =	wrdreg $0x9  }
0xb1: {  	_ =	task.clear_ibuf [dreg:s7], $0x5FFFF;
	_ =	strace $0x90000046  }
0xb2: {  	s29 =	simm.s32 $0x9;
	_ =	strace $0x80000048  }
0xb3: {  	_ =	swait.ge [sflag:s29], $0x1  }
0xb4: {  	[sflag:s29] =	ssyncadd.s32 $0xFFFFFFFF  }
0xb5: {  	_ =	strace $0x90000048  }
0xb6: {  	_ =	sfence  }
0xb7: {  	s30 =	sld [smem:$0x0];
	_ =	sdelay $0x2  }
0xb8: {  	s31 =	sshll.u32 s1, $0xD;
	s1 =	sshrl.u32 s1, $0x2  }
0xb9: {  	s3 =	sand.u32 $0x4000, s31;
	s1 =	sadd.s32 s1, s30  }
0xba: {  	s0 =	sor.u32 s3, s0;
	s1 =	sshll.u32 s1, $0x11  }
0xbb: {  	s0 =	sor.u32 s1, s0  }
0xbc: {  	s0 =	sadd.s32 $0x8F2B, s0  }
0xbd: {  	[sflag:s0] =	ssyncadd.remote.s32 $0x1  }
0xbe: {  	_ =	sfence.sel $0xFFFF  }
0xbf: {  	[dreg:$0x0] =	wrdreg $0xFFFFFFFF;
	(pc) =	sbr.abs _section_cstart, $3  }
0xc0: {  	[dreg:$0x1] =	wrdreg $0xFFFFFFFF  }
0xc1: {  	_ =	task.clear_ibuf [dreg:s7], $0x2FFFF;
	_ =	strace $0x9FFFFFFF  }
0xc2: {  	(tm) =	ssettm $0x7FFFFFFF  }
0xc3: {  	_ =	shalt  }
tec
execute0_lowered:
.L_overlay_start_1:
0x0: {  	(tag) =	ssettag $0x1  }
0x1: {  	s0 =	rddreg [dreg:$0x0]  }
0x2: {  	s3 =	rddreg [dreg:$0x1];
	s4 =	srdreg.scid;
	s2 =	simm.s32 $0x0  }
0x3: {  	s1 =	stileid.u32;
	s12 =	simm.s32 $0x2;
	s13 =	simm.s32 $0x20  }
0x4: {  	s14 =	simm.s32 $0x40;
	s28 =	simm.s32 $0x1E0;
	s29 =	simm.s32 $0x200  }
0x5: {  	s30 =	simm.s32 $0x220;
	[smem:$0x7FF] =	sst s2;
	s7 =	sadd.s32 $0x1200, s0  }
0x6: {  	s18 =	sadd.s32 $0x42D4, s0;
	_ =	strace $0x80000047;
	[dreg:$0x3] =	wrdreg s7  }
0x7: {  	s31 =	simm.s32 $0x1;
	s19 =	sadd.s32 $0x73A8, s0;
	[dreg:$0x6] =	wrdreg s18  }
0x8: {  	s4 =	sand.u32 $0x1, s4;
	s20 =	sadd.s32 $0xA47C, s0;
	[dreg:$0x7] =	wrdreg s19  }
0x9: {  	s5 =	sshll.u32 s1, $0x3;
	s21 =	sadd.s32 $0xD550, s0;
	[dreg:$0x8] =	wrdreg s20  }
0xa: {  	s22 =	sadd.s32 $0x10624, s0;
	s23 =	sadd.s32 $0x136F8, s0;
	[dreg:$0x9] =	wrdreg s21  }
0xb: {  	s25 =	sadd.s32 $0x167CC, s0;
	s26 =	sadd.s32 $0x198A0, s0;
	[dreg:$0xa] =	wrdreg s22  }
0xc: {  	s8 =	sadd.s32 $0x2BD98, s0;
	s9 =	sadd.s32 $0x2EE6C, s0;
	[dreg:$0xb] =	wrdreg s23  }
0xd: {  	s6 =	sshll.u32 s4, $0x2;
	s4 =	ssub.s32 $0x2, s4;
	[dreg:$0xc] =	wrdreg s25  }
0xe: {  	[dreg:$0xd] =	wrdreg s26;
	s7 =	sadd.s32 $0x28CC4, s0;
	s18 =	simm.s32 $0xC0  }
0xf: {  	s19 =	simm.s32 $0xE0;
	s20 =	simm.s32 $0x100;
	s21 =	simm.s32 $0x120  }
0x10: {  	s22 =	simm.s32 $0x140;
	s23 =	simm.s32 $0x160;
	s25 =	simm.s32 $0x1A0  }
0x11: {  	s26 =	simm.s32 $0x1C0;
	s5 =	sor.u32 s6, s5;
	s24 =	sshrl.u32 s4, $0x1  }
0x12: {  	s6 =	sadd.s32 $0x25BF0, s0;
	s10 =	sadd.s32 s5, s0;
	s3 =	sadd.s32 s3, s5  }
0x13: {  	s11 =	ssub.s32 s4, s24;
	s4 =	sadd.s32 $0x1FA48, s0;
	s5 =	sadd.s32 $0x22B1C, s0  }
0x14: {  	s24 =	simm.s32 $0x180;
	[dreg:$0x4] =	wrdreg s3;
	s17 =	sadd.s32 $0x32000, s10  }
0x15: {  	s3 =	sadd.s32 $0x1C974, s0;
	s10 =	sadd.s32 $0x32200, s10;
	s11 =	smax.u32 s11, $0x1  }
0x16: {  	s0 =	simm.s32 $0x400;
	[dreg:$0x5] =	wrdreg s17;
	s17 =	simm.s32 $0xA0  }
.LBB2_1:
0x17: {  	s1 =	rddreg [dreg:$0x4]  }
0x18: {  	[tilespmem:s2], [sflag:$0x2] =	stream.linear.gather [hbm4b:s1+s2], $0x20, $0x38;
	[tilespmem:$0x240] =	vst v63  }
0x19: {  	_ =	swait.ge [sflag:s12], $0x20  }
0x1a: {  	[sflag:s12] =	ssyncset.done $0x0  }
0x1b: {  	s15 =	rddreg [dreg:$0x5];
	[sflag:s12] =	ssyncadd.s32 $0xFFFFFFE0  }
0x1c: {  	[tilespmem:s13], [sflag:$0x2] =	stream.linear.gather [hbm4b:s15+s2], $0x20, $0x38;
	[tilespmem:$0x240] =	vst v63  }
0x1d: {  	_ =	swait.ge [sflag:s12], $0x20  }
0x1e: {  	[sflag:s12] =	ssyncset.done $0x0  }
0x1f: {  	s16 =	rddreg [dreg:$0x3];
	[sflag:s12] =	ssyncadd.s32 $0xFFFFFFE0  }
0x20: {  	[tilespmem:s14], [sflag:$0x1] =	stream.indirect.gather [hbm4b:s16+s13], $0x1, s2, s13, $0xb8;
	[tilespmem:$0x240] =	vst v63  }
0x21: {  	s15 =	rddreg [dreg:$0x6];
	s16 =	simm.s32 $0x60  }
0x22: {  	[tilespmem:s16], [sflag:$0x1] =	stream.indirect.gather [hbm4b:s15+s13], $0x1, s2, s13, $0xb8;
	[tilespmem:$0x240] =	vst v63  }
0x23: {  	s1 =	rddreg [dreg:$0x7];
	s16 =	simm.s32 $0x80  }
0x24: {  	[tilespmem:s16], [sflag:$0x1] =	stream.indirect.gather [hbm4b:s1+s13], $0x1, s2, s13, $0xb8;
	[tilespmem:$0x240] =	vst v63  }
0x25: {  	s15 =	rddreg [dreg:$0x8]  }
0x26: {  	[tilespmem:s17], [sflag:$0x1] =	stream.indirect.gather [hbm4b:s15+s13], $0x1, s2, s13, $0xb8;
	[tilespmem:$0x240] =	vst v63  }
0x27: {  	s16 =	rddreg [dreg:$0x9]  }
0x28: {  	[tilespmem:s18], [sflag:$0x1] =	stream.indirect.gather [hbm4b:s16+s13], $0x1, s2, s13, $0xb8;
	[tilespmem:$0x240] =	vst v63  }
0x29: {  	s15 =	rddreg [dreg:$0xa]  }
0x2a: {  	[tilespmem:s19], [sflag:$0x1] =	stream.indirect.gather [hbm4b:s15+s13], $0x1, s2, s13, $0xb8;
	[tilespmem:$0x240] =	vst v63  }
0x2b: {  	s16 =	rddreg [dreg:$0xb]  }
0x2c: {  	[tilespmem:s20], [sflag:$0x1] =	stream.indirect.gather [hbm4b:s16+s13], $0x1, s2, s13, $0xb8;
	[tilespmem:$0x240] =	vst v63  }
0x2d: {  	s15 =	rddreg [dreg:$0xc]  }
0x2e: {  	[tilespmem:s21], [sflag:$0x1] =	stream.indirect.gather [hbm4b:s15+s13], $0x1, s2, s13, $0xb8;
	[tilespmem:$0x240] =	vst v63  }
0x2f: {  	s16 =	rddreg [dreg:$0xd]  }
0x30: {  	[tilespmem:s22], [sflag:$0x1] =	stream.indirect.gather [hbm4b:s16+s13], $0x1, s2, s13, $0xb8;
	[tilespmem:$0x240] =	vst v63  }
0x31: {  	_ = 	snop  }
0x32: {  	[tilespmem:s23], [sflag:$0x1] =	stream.indirect.gather [hbm4b:s3+s13], $0x1, s2, s13, $0xb8;
	[tilespmem:$0x240] =	vst v63  }
0x33: {  	_ = 	snop  }
0x34: {  	[tilespmem:s24], [sflag:$0x1] =	stream.indirect.gather [hbm4b:s4+s13], $0x1, s2, s13, $0xb8;
	[tilespmem:$0x240] =	vst v63  }
0x35: {  	_ = 	snop  }
0x36: {  	[tilespmem:s25], [sflag:$0x1] =	stream.indirect.gather [hbm4b:s5+s13], $0x1, s2, s13, $0xb8;
	[tilespmem:$0x240] =	vst v63  }
0x37: {  	_ = 	snop  }
0x38: {  	[tilespmem:s26], [sflag:$0x1] =	stream.indirect.gather [hbm4b:s6+s13], $0x1, s2, s13, $0xb8;
	[tilespmem:$0x240] =	vst v63  }
0x39: {  	_ = 	snop  }
0x3a: {  	[tilespmem:s28], [sflag:$0x1] =	stream.indirect.gather [hbm4b:s7+s13], $0x1, s2, s13, $0xb8;
	[tilespmem:$0x240] =	vst v63  }
0x3b: {  	_ = 	snop  }
0x3c: {  	[tilespmem:s29], [sflag:$0x1] =	stream.indirect.gather [hbm4b:s8+s13], $0x1, s2, s13, $0xb8;
	[tilespmem:$0x240] =	vst v63  }
0x3d: {  	_ = 	snop  }
0x3e: {  	[tilespmem:s30], [sflag:$0x1] =	stream.indirect.gather [hbm4b:s9+s13], $0x1, s2, s13, $0xb8;
	[tilespmem:$0x240] =	vst v63  }
0x3f: {  	_ =	swait.ge [sflag:s31], $0x20  }
0x40: {  	[sflag:s31] =	ssyncset.done $0x0  }
0x41: {  	[sflag:s31] =	ssyncadd.s32 $0xFFFFFFE0  }
0x42: {  	_ =	swait.ge [sflag:s31], $0x20  }
0x43: {  	[sflag:s31] =	ssyncset.done $0x0  }
0x44: {  	[sflag:s31] =	ssyncadd.s32 $0xFFFFFFE0  }
0x45: {  	_ =	swait.ge [sflag:s31], $0x20  }
0x46: {  	[sflag:s31] =	ssyncset.done $0x0  }
0x47: {  	[sflag:s31] =	ssyncadd.s32 $0xFFFFFFE0  }
0x48: {  	_ =	swait.ge [sflag:s31], $0x20  }
0x49: {  	[sflag:s31] =	ssyncset.done $0x0  }
0x4a: {  	[sflag:s31] =	ssyncadd.s32 $0xFFFFFFE0  }
0x4b: {  	_ =	swait.ge [sflag:s31], $0x20  }
0x4c: {  	[sflag:s31] =	ssyncset.done $0x0  }
0x4d: {  	[sflag:s31] =	ssyncadd.s32 $0xFFFFFFE0  }
0x4e: {  	_ =	swait.ge [sflag:s31], $0x20  }
0x4f: {  	[sflag:s31] =	ssyncset.done $0x0  }
0x50: {  	[sflag:s31] =	ssyncadd.s32 $0xFFFFFFE0  }
0x51: {  	_ =	swait.ge [sflag:s31], $0x20  }
0x52: {  	[sflag:s31] =	ssyncset.done $0x0  }
0x53: {  	[sflag:s31] =	ssyncadd.s32 $0xFFFFFFE0  }
0x54: {  	_ =	swait.ge [sflag:s31], $0x20  }
0x55: {  	[sflag:s31] =	ssyncset.done $0x0  }
0x56: {  	[sflag:s31] =	ssyncadd.s32 $0xFFFFFFE0  }
0x57: {  	_ =	swait.ge [sflag:s31], $0x20  }
0x58: {  	[sflag:s31] =	ssyncset.done $0x0  }
0x59: {  	[sflag:s31] =	ssyncadd.s32 $0xFFFFFFE0  }
0x5a: {  	_ =	swait.ge [sflag:s31], $0x20  }
0x5b: {  	[sflag:s31] =	ssyncset.done $0x0  }
0x5c: {  	[sflag:s31] =	ssyncadd.s32 $0xFFFFFFE0  }
0x5d: {  	_ =	swait.ge [sflag:s31], $0x20  }
0x5e: {  	[sflag:s31] =	ssyncset.done $0x0  }
0x5f: {  	[sflag:s31] =	ssyncadd.s32 $0xFFFFFFE0  }
0x60: {  	_ =	swait.ge [sflag:s31], $0x20  }
0x61: {  	[sflag:s31] =	ssyncset.done $0x0  }
0x62: {  	[sflag:s31] =	ssyncadd.s32 $0xFFFFFFE0  }
0x63: {  	_ =	swait.ge [sflag:s31], $0x20  }
0x64: {  	[sflag:s31] =	ssyncset.done $0x0  }
0x65: {  	[sflag:s31] =	ssyncadd.s32 $0xFFFFFFE0  }
0x66: {  	_ =	swait.ge [sflag:s31], $0x20  }
0x67: {  	[sflag:s31] =	ssyncset.done $0x0  }
0x68: {  	[sflag:s31] =	ssyncadd.s32 $0xFFFFFFE0  }
0x69: {  	_ =	swait.ge [sflag:s31], $0x20  }
0x6a: {  	[sflag:s31] =	ssyncset.done $0x0  }
0x6b: {  	[sflag:s31] =	ssyncadd.s32 $0xFFFFFFE0  }
0x6c: {  	_ =	swait.ge [sflag:s31], $0x20  }
0x6d: {  	[sflag:s31] =	ssyncset.done $0x0  }
0x6e: {  	[sflag:s31] =	ssyncadd.s32 $0xFFFFFFE0  }
0x6f: {  	v0 =	vld [tilespmem:$0x40]  }
0x70: {  	v1 =	vld [tilespmem:$0x20]  }
0x71: {  	v2 =	vld [tilespmem:$0x50]  }
0x72: {  	v3 =	vld [tilespmem:$0x30]  }
0x73: {  	v4 =	vld [tilespmem:$0x60]  }
0x74: {  	v5 =	vld [tilespmem:$0x20]  }
0x75: {  	v6 =	vld [tilespmem:$0x70]  }
0x76: {  	v7 =	vld [tilespmem:$0x30]  }
0x77: {  	v8 =	vld [tilespmem:$0x80]  }
0x78: {  	v9 =	vld [tilespmem:$0x20]  }
0x79: {  	v10 =	vld [tilespmem:$0x90]  }
0x7a: {  	v11 =	vld [tilespmem:$0x30]  }
0x7b: {  	v12 =	vld [tilespmem:$0xA0]  }
0x7c: {  	v13 =	vld [tilespmem:$0x20]  }
0x7d: {  	v14 =	vld [tilespmem:$0xB0]  }
0x7e: {  	v15 =	vld [tilespmem:$0x30]  }
0x7f: {  	v16 =	vld [tilespmem:$0xC0]  }
0x80: {  	v17 =	vld [tilespmem:$0x20]  }
0x81: {  	v18 =	vld [tilespmem:$0xD0]  }
0x82: {  	v19 =	vld [tilespmem:$0x30]  }
0x83: {  	v20 =	vld [tilespmem:$0xE0]  }
0x84: {  	v21 =	vld [tilespmem:$0x20]  }
0x85: {  	v22 =	vld [tilespmem:$0xF0]  }
0x86: {  	v23 =	vld [tilespmem:$0x30]  }
0x87: {  	v24 =	vld [tilespmem:$0x100]  }
0x88: {  	v25 =	vld [tilespmem:$0x20]  }
0x89: {  	v26 =	vld [tilespmem:$0x110]  }
0x8a: {  	v27 =	vld [tilespmem:$0x30]  }
0x8b: {  	v28 =	vld [tilespmem:$0x120]  }
0x8c: {  	v29 =	vld [tilespmem:$0x20]  }
0x8d: {  	v30 =	vld [tilespmem:$0x130]  }
0x8e: {  	v31 =	vld [tilespmem:$0x30]  }
0x8f: {  	v32 =	vld [tilespmem:$0x140]  }
0x90: {  	v33 =	vld [tilespmem:$0x20]  }
0x91: {  	v34 =	vld [tilespmem:$0x150]  }
0x92: {  	v35 =	vld [tilespmem:$0x30]  }
0x93: {  	v36 =	vld [tilespmem:$0x160]  }
0x94: {  	v46 =	vld [tilespmem:$0x20];
	v0 =	vmul.f32 v1, v0  }
0x95: {  	v47 =	vld [tilespmem:$0x170];
	v2 =	vmul.f32 v3, v2  }
0x96: {  	v49 =	vld [tilespmem:$0x30];
	v48 =	vmul.f32 v5, v4;
	[tilespmem:$0x40] =	vst v0  }
0x97: {  	v51 =	vld [tilespmem:$0x180];
	v50 =	vmul.f32 v7, v6;
	[tilespmem:$0x50] =	vst v2  }
0x98: {  	v53 =	vld [tilespmem:$0x20];
	v52 =	vmul.f32 v9, v8;
	[tilespmem:$0x60] =	vst v48  }
0x99: {  	v55 =	vld [tilespmem:$0x190];
	v54 =	vmul.f32 v11, v10;
	[tilespmem:$0x70] =	vst v50  }
0x9a: {  	v57 =	vld [tilespmem:$0x30];
	v56 =	vmul.f32 v13, v12;
	[tilespmem:$0x80] =	vst v52  }
0x9b: {  	v59 =	vld [tilespmem:$0x1A0];
	v58 =	vmul.f32 v15, v14;
	[tilespmem:$0x90] =	vst v54  }
0x9c: {  	v61 =	vld [tilespmem:$0x20];
	v60 =	vmul.f32 v17, v16;
	[tilespmem:$0xA0] =	vst v56  }
0x9d: {  	v63 =	vld [tilespmem:$0x1B0];
	v62 =	vmul.f32 v19, v18;
	[tilespmem:$0xB0] =	vst v58  }
0x9e: {  	v37 =	vld [tilespmem:$0x1E0];
	v20 =	vmul.f32 v21, v20;
	[tilespmem:$0xC0] =	vst v60  }
0x9f: {  	v39 =	vld [tilespmem:$0x20];
	v22 =	vmul.f32 v23, v22;
	[tilespmem:$0xD0] =	vst v62  }
0xa0: {  	v41 =	vld [tilespmem:$0x1F0];
	v24 =	vmul.f32 v25, v24;
	[tilespmem:$0xE0] =	vst v20  }
0xa1: {  	v43 =	vld [tilespmem:$0x30];
	v26 =	vmul.f32 v27, v26;
	[tilespmem:$0xF0] =	vst v22  }
0xa2: {  	v45 =	vld [tilespmem:$0x200];
	v28 =	vmul.f32 v29, v28;
	[tilespmem:$0x100] =	vst v24  }
0xa3: {  	v21 =	vld [tilespmem:$0x30];
	v31 =	vmul.f32 v31, v30;
	[tilespmem:$0x110] =	vst v26  }
0xa4: {  	v23 =	vld [tilespmem:$0x1C0];
	v38 =	vmul.f32 v33, v32;
	[tilespmem:$0x120] =	vst v28  }
0xa5: {  	v25 =	vld [tilespmem:$0x20];
	v40 =	vmul.f32 v35, v34;
	[tilespmem:$0x130] =	vst v31  }
0xa6: {  	v27 =	vld [tilespmem:$0x1D0];
	v42 =	vmul.f32 v46, v36;
	[tilespmem:$0x140] =	vst v38  }
0xa7: {  	v29 =	vld [tilespmem:$0x30];
	v44 =	vmul.f32 v49, v47;
	[tilespmem:$0x150] =	vst v40  }
0xa8: {  	v46 =	vmul.f32 v53, v51;
	v47 =	vld [tilespmem:$0x20];
	[tilespmem:$0x160] =	vst v42  }
0xa9: {  	v49 =	vld [tilespmem:$0x210];
	v1 =	vmul.f32 v43, v41;
	[tilespmem:$0x170] =	vst v44  }
0xaa: {  	v51 =	vld [tilespmem:$0x30];
	v48 =	vmul.f32 v57, v55;
	[tilespmem:$0x180] =	vst v46  }
0xab: {  	v53 =	vld [tilespmem:$0x220];
	v50 =	vmul.f32 v61, v59;
	[tilespmem:$0x1F0] =	vst v1  }
0xac: {  	v55 =	vld [tilespmem:$0x20];
	v58 =	vmul.f32 v39, v37;
	[tilespmem:$0x190] =	vst v48  }
0xad: {  	v57 =	vld [tilespmem:$0x230];
	[tilespmem:$0x1A0] =	vst v50;
	v52 =	vmul.f32 v21, v63  }
0xae: {  	v59 =	vld [tilespmem:$0x30];
	[tilespmem:$0x1E0] =	vst v58;
	v54 =	vmul.f32 v25, v23  }
0xaf: {  	v56 =	vmul.f32 v29, v27;
	[tilespmem:$0x1B0] =	vst v52  }
0xb0: {  	v60 =	vmul.f32 v47, v45;
	[tilespmem:$0x1C0] =	vst v54  }
0xb1: {  	v61 =	vmul.f32 v51, v49;
	[tilespmem:$0x1D0] =	vst v56  }
0xb2: {  	[tilespmem:$0x200] =	vst v60;
	v62 =	vmul.f32 v55, v53  }
0xb3: {  	[tilespmem:$0x210] =	vst v61;
	v63 =	vmul.f32 v59, v57  }
0xb4: {  	p0 =	sne.s32 s11, $0x1;
	[tilespmem:$0x220] =	vst v62  }
.Ltmp0:
0xb5: {  	[tilespmem:$0x230] =	vst v63;
	(pc) =	sbr.rel @p0 .LBB2_1-.Ltmp0, $4  }
0xb6: {  	[hbm4b:s10+s13] =	stream.strided.scatter [tilespmem:s14], [sflag:$0x2], $0x200, s0, s13, $0x38;
	[tilespmem:$0x240] =	vst v63  }
0xb7: {  	_ =	swait.ge [sflag:s12], $0x200  }
0xb8: {  	[sflag:s12] =	ssyncset.done $0x0  }
0xb9: {  	s11 =	sadd.s32 $0xFFFFFFFF, s11;
	[sflag:s12] =	ssyncadd.s32 $0xFFFFFE00  }
0xba: {  	_ =	sfence.sel $0x180000  }
0xbb: {  	[bflag:$0x0] =	sbarrier.arrive $0xFFFF  }
0xbc: {  	_ =	strace $0x90000047  }
0xbd: {  	s0 =	stileid.u32;
	[bflag:$0x2] =	sbarrier.arrive $0xFFFF  }
0xbe: {  	p0 =	sne.s32 s0, $0x0;
	s0 =	rddreg [dreg:$0x2]  }
0xbf: {  	s0 =	sadd.s32 @!p0 $0x100000, s0  }
0xc0: {  	[sflag:s0] =	ssyncadd.tile.s32 @!p0 $0x1;
	_ =	shalt  }
.Lfunc_end2:
_tile_overlayer_lowered:
.L_overlay_start_2:
0xc1: {  	(tag) =	ssettag $0x2  }
0xc2: {  	s0 =	rddreg [dreg:$0x0];
	s2 =	stileid.u32  }
0xc3: {  	s1 =	rddreg [dreg:$0x1];
	p0 =	sne.s32 s2, $0x0  }
0xc4: {  	s3 =	rddreg [dreg:$0x2];
	[bflag:$0x3] =	sbarrier.arrive $0xFFFF;
	s2 =	simm.s32 @!p0 $0x1C02  }
0xc5: {  	[timem:s3], [sflag:s2] =	dma.local @!p0 [hbm:s0], s1  }
0xc6: {  	s0 =	simm.s32 @!p0 $0x2  }
0xc7: {  	_ =	swait.ge @!p0 [sflag:s0], s1  }
0xc8: {  	s1 =	ssub.s32 @!p0 $0x0, s1;
	[sflag:s0] =	ssyncset.done @!p0 $0x0  }
0xc9: {  	[sflag:s0] =	ssyncadd.s32 @!p0 s1  }
0xca: {  	[bflag:$0x3] =	sbarrier.arrive $0xFFFF  }
0xcb: {  	_ =	shalt  }

</sc_bundles>
